<compile_context>
chip_gen: v7x
topology: tpu7x:2x2x1
jax: 0.10.2.dev20260603
libtpu: 0.0.44.dev20260713+nightly
codegen_flags: <defaults>
</compile_context>

<pallas_src>
import functools

import jax
import jax.numpy as jnp
from jax import lax
from jax.experimental import pallas as pl
from jax.experimental.pallas import tpu as pltpu
from jax.experimental.pallas import tpu_sc as plsc

BS = 32
SEQ = 64
D = 128
NQ = 50000
NC = 1000
NEG = -1e30
NPOS = BS * SEQ
CN_PAD = 16384
HR = 66


def _sc_gather(eq_tab, int_tab, qseq_idx, cn_idx2):
    mesh = plsc.VectorSubcoreMesh(core_axis_name="c", subcore_axis_name="s")

    @functools.partial(
        pl.kernel,
        mesh=mesh,
        out_type=[
            jax.ShapeDtypeStruct((CN_PAD, D), jnp.float32),
            jax.ShapeDtypeStruct((NPOS, D), jnp.float32),
            jax.ShapeDtypeStruct((NPOS, 128), jnp.int32),
        ],
        scratch_types=[
            pltpu.VMEM((4, 128), jnp.int32),
            pltpu.VMEM((64,), jnp.int32),
            pltpu.VMEM((512, D), jnp.float32),
            pltpu.VMEM((64, D), jnp.float32),
            pltpu.VMEM((64, 128), jnp.int32),
            pltpu.SemaphoreType.DMA,
        ],
    )
    def k(eq_hbm, int_hbm, qidx_hbm, cnidx_hbm, cn_out, eq_out, int_out,
          cnidx_v, qidx_v, cnrows_v, eqrows_v, introws_v, sem):
        wid = lax.axis_index("s") * 2 + lax.axis_index("c")
        pltpu.sync_copy(cnidx_hbm.at[pl.ds(wid * 4, 4)], cnidx_v)
        pltpu.sync_copy(qidx_hbm.at[pl.ds(wid * 64, 64)], qidx_v)
        cps = []
        for c in range(4):
            cps.append(pltpu.async_copy(
                eq_hbm.at[cnidx_v.at[c]],
                cnrows_v.at[pl.ds(c * 128, 128)], sem))
        cps.append(pltpu.async_copy(eq_hbm.at[qidx_v], eqrows_v, sem))
        cps.append(pltpu.async_copy(int_hbm.at[qidx_v], introws_v, sem))
        for cp in cps:
            cp.wait()
        pltpu.sync_copy(cnrows_v, cn_out.at[pl.ds(wid * 512, 512)])
        pltpu.sync_copy(eqrows_v, eq_out.at[pl.ds(wid * 64, 64)])
        pltpu.sync_copy(introws_v, int_out.at[pl.ds(wid * 64, 64)])

    return k(eq_tab, int_tab, qseq_idx, cn_idx2)


def _a1_body(cn3_ref, ec_ref, w1t_ref, b1_ref, out_ref):
    m = jnp.sum(cn3_ref[...], axis=1) * (1.0 / 16.0)
    ec = ec_ref[...]
    a1 = jnp.tanh((m + ec) @ w1t_ref[...] + b1_ref[...])
    out_ref[...] = jnp.concatenate([ec, a1], axis=1)


def _run_a1(cn3, ec, w1t, b1):
    return pl.pallas_call(
        _a1_body,
        grid=(5,),
        in_specs=[
            pl.BlockSpec((200, 16, D), lambda i: (i, 0, 0)),
            pl.BlockSpec((200, D), lambda i: (i, 0)),
            pl.BlockSpec((D, D), lambda i: (0, 0)),
            pl.BlockSpec((1, D), lambda i: (0, 0)),
        ],
        out_specs=pl.BlockSpec((200, 2 * D), lambda i: (i, 0)),
        out_shape=jax.ShapeDtypeStruct((NC, 2 * D), jnp.float32),
    )(cn3, ec, w1t, b1)


def _a2_body(int_ref, ints_ref, eq_ref, eqs_ref, ms_ref,
             rs_ref, ca_ref,
             w0t_ref, wlt_ref, b0_ref, bl_ref, wiat_ref, wibt_ref, bih_ref,
             er_ref, kw_ref, ww_ref, gi1_ref, qc8_ref):
    ints = int_ref[...]
    ints2 = ints_ref[...]
    iota_c = lax.broadcasted_iota(jnp.int32, (512, NC), 1)
    s = jnp.zeros((512, NC), jnp.float32)
    for j in range(16):
        s = s + (ints[:, j:j + 1] == iota_c).astype(jnp.float32)
    cam = (s @ ca_ref[...]) * (1.0 / 16.0)
    cmean = cam[:, :D]
    amean = cam[:, D:]
    eq = eq_ref[...]
    e0a = jnp.tanh((cmean + eq) @ w0t_ref[...] + b0_ref[...])
    e0b = jnp.tanh((amean + e0a) @ w0t_ref[...] + b0_ref[...])
    agg = jnp.tanh(e0b @ wlt_ref[...] + bl_ref[...])
    mf = ms_ref[...].astype(jnp.float32)
    emb_q = mf * agg + (1.0 - mf) * eq
    rf = rs_ref[...].astype(jnp.float32)
    er = er_ref[...]
    emb_r = rf * er[1:2, :] + (1.0 - rf) * er[0:1, :]
    gi1_ref[...] = emb_q @ wiat_ref[...] + emb_r @ wibt_ref[...] + bih_ref[...]
    qc8_ref[:, 0, :] = eqs_ref[...]
    ec = ca_ref[...][:, :D]
    for j in range(4):
        oh = (ints2[:, 16 + j:17 + j] == iota_c).astype(jnp.float32)
        qc8_ref[:, j + 1, :] = oh @ ec
    kv = ww_ref[...][:, D:] @ kw_ref[...]
    qc8_ref[:, 5, :] = jnp.broadcast_to(kv, (512, D))
    qc8_ref[:, 6, :] = jnp.zeros((512, D), jnp.float32)
    qc8_ref[:, 7, :] = jnp.zeros((512, D), jnp.float32)


def _run_a2(int_rows, int_shift, eq_rows, eq_shift, ms, rs, ca,
            w0t, wlt, b0, bl, wiat, wibt, bih, er, key_W, W_W):
    return pl.pallas_call(
        _a2_body,
        grid=(4,),
        in_specs=[
            pl.BlockSpec((512, 128), lambda k: (k, 0)),
            pl.BlockSpec((512, 128), lambda k: (k, 0)),
            pl.BlockSpec((512, D), lambda k: (k, 0)),
            pl.BlockSpec((512, D), lambda k: (k, 0)),
            pl.BlockSpec((512, 1), lambda k: (k, 0)),
            pl.BlockSpec((512, 1), lambda k: (k, 0)),
            pl.BlockSpec((NC, 2 * D), lambda k: (0, 0)),
            pl.BlockSpec((D, D), lambda k: (0, 0)),
            pl.BlockSpec((D, D), lambda k: (0, 0)),
            pl.BlockSpec((1, D), lambda k: (0, 0)),
            pl.BlockSpec((1, D), lambda k: (0, 0)),
            pl.BlockSpec((D, 3 * D), lambda k: (0, 0)),
            pl.BlockSpec((D, 3 * D), lambda k: (0, 0)),
            pl.BlockSpec((1, 3 * D), lambda k: (0, 0)),
            pl.BlockSpec((2, D), lambda k: (0, 0)),
            pl.BlockSpec((D, D), lambda k: (0, 0)),
            pl.BlockSpec((1, 2 * D), lambda k: (0, 0)),
        ],
        out_specs=[
            pl.BlockSpec((512, 3 * D), lambda k: (k, 0)),
            pl.BlockSpec((512, 8, D), lambda k: (k, 0, 0)),
        ],
        out_shape=[
            jax.ShapeDtypeStruct((NPOS, 3 * D), jnp.float32),
            jax.ShapeDtypeStruct((NPOS, 8, D), jnp.float32),
        ],
    )(int_rows, int_shift, eq_rows, eq_shift, ms, rs, ca,
      w0t, wlt, b0, bl, wiat, wibt, bih, er, key_W, W_W)


def _a3_body(eqb_ref, mask_ref):
    eq = eqb_ref[...]
    sh = jnp.concatenate([eq[:, 1:], eq[:, :1]], axis=1)
    smat = lax.dot_general(sh, eq, (((2,), (2,)), ((0,), (0,))))
    tg = lax.broadcasted_iota(jnp.int32, (BS, SEQ, SEQ), 1)
    taug = lax.broadcasted_iota(jnp.int32, (BS, SEQ, SEQ), 2)
    sc = jnp.where(taug < tg, smat, NEG)
    nsel = jnp.minimum(tg[:, :, :1], 10)
    sel = taug == tg
    for p in range(10):
        m = jnp.max(sc, axis=2, keepdims=True)
        cand = jnp.where(sc == m, taug, 9999)
        idx = jnp.min(cand, axis=2, keepdims=True)
        pick = jnp.logical_and(taug == idx, p < nsel)
        sel = jnp.logical_or(sel, pick)
        sc = jnp.where(pick, NEG, sc)
    mask_ref[...] = jnp.swapaxes(jnp.where(sel, 0.0, NEG), 0, 1)


def _run_a3(eq_b):
    return pl.pallas_call(
        _a3_body,
        grid=(1,),
        in_specs=[pl.BlockSpec((BS, SEQ, D), lambda i: (0, 0, 0))],
        out_specs=pl.BlockSpec((SEQ, BS, SEQ), lambda i: (0, 0, 0)),
        out_shape=jax.ShapeDtypeStruct((SEQ, BS, SEQ), jnp.float32),
    )(eq_b)


def _b_body(gi1_ref, qc8_ref, mask_ref, h1i_ref, h2i_ref,
            w1hh_ref, w2ih_ref, w2hh_ref, b1hh_ref, b2ih_ref, b2hh_ref,
            qw_ref, qb_ref, kb_ref, ww_ref, wb_ref,
            y_ref, h1_s, h2_s, hist_s):
    u = pl.program_id(0)
    ww = ww_ref[...]
    w1v = ww[:, :D]
    w2v = ww[:, D:]

    @pl.when(u == 0)
    def _init():
        h1_s[...] = h1i_ref[...]
        h2_s[...] = h2i_ref[...]
        hist_s[...] = jnp.zeros_like(hist_s)
        qv = w1v @ qw_ref[...]
        hist_s[:, SEQ:SEQ + 1, :] = jnp.broadcast_to(qv[None], (BS, 1, D))
        y_ref[...] = jnp.zeros_like(y_ref)

    @pl.when(u == 2)
    def _clear_row0():
        hist_s[:, 0:1, :] = jnp.zeros((BS, 1, D), jnp.float32)

    hist = hist_s[...]

    qb1 = jnp.sum(qb_ref[...] * w1v, axis=1, keepdims=True)
    kb2 = (jnp.sum(kb_ref[...] * w2v, axis=1, keepdims=True)
           + wb_ref[...][:, :1])
    qc8 = qc8_ref[0]
    d = lax.dot_general(qc8, hist, (((2,), (2,)), ((0,), (0,))))
    g = jax.nn.sigmoid(d[:, :5, :SEQ])
    qw1 = d[:, :5, SEQ:SEQ + 1]
    kw2 = d[:, 5:6, :SEQ]
    mt = mask_ref[0][:, None, :]
    w = qw1 + kw2 + mt + jnp.reshape(qb1 + kb2, (1, 1, 1))
    m = jnp.max(jnp.max(w, axis=2, keepdims=True), axis=1, keepdims=True)
    e = jnp.exp(w - m)
    num = jnp.sum(jnp.sum(e * g, axis=2, keepdims=True), axis=1)
    den = jnp.sum(jnp.sum(e, axis=2, keepdims=True), axis=1)
    yt = num / den

    @pl.when(u > 0)
    def _ywrite():
        col = jnp.where(u == 1, 0, u)
        lane = lax.broadcasted_iota(jnp.int32, (BS, SEQ), 1)
        y_ref[...] = jnp.where(lane == col, jnp.broadcast_to(yt, (BS, SEQ)),
                               y_ref[...])

    h1 = h1_s[...]
    h2 = h2_s[...]
    gi1 = gi1_ref[0]
    gh1 = h1 @ w1hh_ref[...] + b1hh_ref[...]
    r1 = jax.nn.sigmoid(gi1[:, :D] + gh1[:, :D])
    z1 = jax.nn.sigmoid(gi1[:, D:2 * D] + gh1[:, D:2 * D])
    n1 = jnp.tanh(gi1[:, 2 * D:] + r1 * gh1[:, 2 * D:])
    h1n = (1.0 - z1) * n1 + z1 * h1
    gi2 = h1n @ w2ih_ref[...] + b2ih_ref[...]
    gh2 = h2 @ w2hh_ref[...] + b2hh_ref[...]
    r2 = jax.nn.sigmoid(gi2[:, :D] + gh2[:, :D])
    z2 = jax.nn.sigmoid(gi2[:, D:2 * D] + gh2[:, D:2 * D])
    n2 = jnp.tanh(gi2[:, 2 * D:] + r2 * gh2[:, 2 * D:])
    g2 = (1.0 - z2) * n2 + z2 * h2

    @pl.when(u < SEQ - 1)
    def _state_upd():
        hist_s[:, pl.ds(u, 1), :] = g2[:, None, :]
        h1_s[...] = h1n

    @pl.when(jnp.logical_and(u >= 1, u < SEQ - 1))
    def _h2_upd():
        h2_s[...] = g2


def _run_b(gi1r, qc8r, mask_t, h1_init, h2_init,
           w1hh_t, w2ih_t, w2hh_t, b1hh, b2ih, b2hh,
           query_W, query_b, key_b, W_W, wb):
    return pl.pallas_call(
        _b_body,
        grid=(SEQ,),
        in_specs=[
            pl.BlockSpec((1, BS, 3 * D), lambda u: (jnp.minimum(u, SEQ - 2), 0, 0)),
            pl.BlockSpec((1, BS, 8, D), lambda u: (jnp.maximum(u - 1, 0), 0, 0, 0)),
            pl.BlockSpec((1, BS, SEQ), lambda u: (jnp.maximum(u - 1, 0), 0, 0)),
            pl.BlockSpec((BS, D), lambda t: (0, 0)),
            pl.BlockSpec((BS, D), lambda t: (0, 0)),
            pl.BlockSpec((D, 3 * D), lambda t: (0, 0)),
            pl.BlockSpec((D, 3 * D), lambda t: (0, 0)),
            pl.BlockSpec((D, 3 * D), lambda t: (0, 0)),
            pl.BlockSpec((1, 3 * D), lambda t: (0, 0)),
            pl.BlockSpec((1, 3 * D), lambda t: (0, 0)),
            pl.BlockSpec((1, 3 * D), lambda t: (0, 0)),
            pl.BlockSpec((D, D), lambda t: (0, 0)),
            pl.BlockSpec((1, D), lambda t: (0, 0)),
            pl.BlockSpec((1, D), lambda t: (0, 0)),
            pl.BlockSpec((1, 2 * D), lambda t: (0, 0)),
            pl.BlockSpec((1, D), lambda t: (0, 0)),
        ],
        out_specs=pl.BlockSpec((BS, SEQ), lambda t: (0, 0)),
        out_shape=jax.ShapeDtypeStruct((BS, SEQ), jnp.float32),
        scratch_shapes=[
            pltpu.VMEM((BS, D), jnp.float32),
            pltpu.VMEM((BS, D), jnp.float32),
            pltpu.VMEM((BS, HR, D), jnp.float32),
        ],
    )(gi1r, qc8r, mask_t, h1_init, h2_init,
      w1hh_t, w2ih_t, w2hh_t, b1hh, b2ih, b2hh,
      query_W, query_b, key_b, W_W, wb)


def kernel(question_seq, correct_seq, mask_seq, question_neighbors,
           concept_neighbors, q2c, embed_question, embed_concept,
           embed_correct, gru1_W_ih, gru1_W_hh, gru1_b_ih, gru1_b_hh,
           gru2_W_ih, gru2_W_hh, gru2_b_ih, gru2_b_hh,
           agg_W0, agg_b0, agg_W1, agg_b1, agg_last_W, agg_last_b,
           query_W, query_b, key_W, key_b, W_W, W_b, h1_init, h2_init):
    f32 = jnp.float32
    qseq_t = question_seq.astype(jnp.int32).T.reshape(-1)
    cn_idx2 = jnp.pad(concept_neighbors.astype(jnp.int32).reshape(-1),
                      (0, CN_PAD - NC * 16)).reshape(128, 128)
    int_tab = jnp.pad(
        jnp.concatenate([question_neighbors.astype(jnp.int32),
                         q2c.astype(jnp.int32)], axis=1),
        ((0, 0), (0, 108)))

    cn_rows, eq_rows, int_rows = _sc_gather(
        embed_question.astype(f32), int_tab, qseq_t, cn_idx2)

    cn3 = cn_rows[:NC * 16].reshape(NC, 16, D)
    ca = _run_a1(cn3, embed_concept.astype(f32), agg_W1.T,
                 agg_b1.reshape(1, D))

    int_shift = jnp.concatenate([int_rows[BS:], int_rows[:BS]], axis=0)
    eq_shift = jnp.concatenate([eq_rows[BS:], eq_rows[:BS]], axis=0)
    ms = mask_seq.astype(jnp.int32).T.reshape(NPOS, 1)
    rs = correct_seq.astype(jnp.int32).T.reshape(NPOS, 1)
    gi1, qc8 = _run_a2(
        int_rows, int_shift, eq_rows, eq_shift, ms, rs, ca,
        agg_W0.T, agg_last_W.T, agg_b0.reshape(1, D),
        agg_last_b.reshape(1, D),
        gru1_W_ih[:, :D].T, gru1_W_ih[:, D:].T,
        gru1_b_ih.reshape(1, 3 * D), embed_correct.astype(f32),
        key_W.astype(f32), W_W.reshape(1, 2 * D))

    eq_b = eq_rows.reshape(SEQ, BS, D).transpose(1, 0, 2)
    mask_t = _run_a3(eq_b)

    gi1r = gi1.reshape(SEQ, BS, 3 * D)
    qc8r = qc8.reshape(SEQ, BS, 8, D)
    y = _run_b(
        gi1r, qc8r, mask_t, h1_init.astype(f32), h2_init.astype(f32),
        gru1_W_hh.T, gru2_W_ih.T, gru2_W_hh.T,
        gru1_b_hh.reshape(1, 3 * D), gru2_b_ih.reshape(1, 3 * D),
        gru2_b_hh.reshape(1, 3 * D),
        query_W.astype(f32), query_b.reshape(1, D), key_b.reshape(1, D),
        W_W.reshape(1, 2 * D),
        jnp.broadcast_to(W_b.reshape(1, 1), (1, D)))
    return y

# --- scband reference (transcript-rebuilt; emitter-appended) ---
"""Pipeline reference for scband-gikt-24240795419069 (READ-ONLY COPY).

The authoritative reference and input builder live on the scoring server;
editing this copy changes nothing except your own understanding.
"""

import jax, jax.numpy as jnp
import numpy as np

DIM = 128
NUM_Q = 50000
NUM_C = 1000
Q_NB = 16
C_NB = 16
AGG_HOPS = 2
RANK_K = 10
NCPQ = 4
BS = 32
SEQ = 64


def _linear(x, W, b):
    return x @ W.T + b


def _gru_cell(x, h, W_ih, W_hh, b_ih, b_hh):
    gi = x @ W_ih.T + b_ih
    gh = h @ W_hh.T + b_hh
    i_r, i_z, i_n = jnp.split(gi, 3, axis=-1)
    h_r, h_z, h_n = jnp.split(gh, 3, axis=-1)
    r = jax.nn.sigmoid(i_r + h_r)
    z = jax.nn.sigmoid(i_z + h_z)
    n = jnp.tanh(i_n + r * h_n)
    return (1.0 - z) * n + z * h


def _aggregate(embs, agg_Ws, agg_bs, agg_last_W, agg_last_b):
    embs = list(embs)
    for i in range(AGG_HOPS):
        for j in range(AGG_HOPS - i):
            mean_nb = embs[j + 1].mean(axis=-2)
            embs[j] = jnp.tanh(_linear(mean_nb + embs[j], agg_Ws[j], agg_bs[j]))
    return jnp.tanh(_linear(embs[0], agg_last_W, agg_last_b))


def _predict(qc, states, query_W, query_b, key_W, key_b, W_W, W_b):
    bs, nq, d = qc.shape
    ns = states.shape[1]
    g = jax.nn.sigmoid(jnp.einsum('bqd,bsd->bqs', qc, states))
    Q = _linear(qc, query_W, query_b)
    K = _linear(states, key_W, key_b)
    Qe = jnp.broadcast_to(Q[:, :, None, :], (bs, nq, ns, d))
    Ke = jnp.broadcast_to(K[:, None, :, :], (bs, nq, ns, d))
    w = _linear(jnp.concatenate([Qe, Ke], axis=-1), W_W, W_b)[..., 0]
    alpha = jax.nn.softmax(w.reshape(bs, -1), axis=1).reshape(bs, nq, ns)
    return jnp.sum(alpha * g, axis=(1, 2))


def _forward(question_seq, correct_seq, mask_seq, question_neighbors, concept_neighbors, q2c,
             embed_question, embed_concept, embed_correct,
             gru1_W_ih, gru1_W_hh, gru1_b_ih, gru1_b_hh,
             gru2_W_ih, gru2_W_hh, gru2_b_ih, gru2_b_hh,
             agg_W0, agg_b0, agg_W1, agg_b1, agg_last_W, agg_last_b,
             query_W, query_b, key_W, key_b, W_W, W_b, h1_init, h2_init):
    agg_Ws = [agg_W0, agg_W1]
    agg_bs = [agg_b0, agg_b1]
    h1 = h1_init
    h2 = h2_init
    state_history = jnp.zeros((BS, SEQ, DIM), jnp.float32)
    y_cols = [jnp.zeros((BS,), jnp.float32) for _ in range(SEQ)]
    for t in range(SEQ - 1):
        q_t = question_seq[:, t]
        r_t = correct_seq[:, t]
        mask_t = mask_seq[:, t] != 0
        emb_r = embed_correct[r_t]
        nodes = [q_t]
        for i in range(AGG_HOPS):
            cur = nodes[-1].reshape(-1)
            shape = [BS] + [Q_NB if j % 2 == 0 else C_NB for j in range(i + 1)]
            if i % 2 == 0:
                nodes.append(question_neighbors[cur].reshape(shape))
            else:
                nodes.append(concept_neighbors[cur].reshape(shape))
        embs = []
        for i, nd in enumerate(nodes):
            if i % 2 == 0:
                embs.append(embed_question[nd])
            else:
                embs.append(embed_concept[nd])
        emb_q_agg = _aggregate(embs, agg_Ws, agg_bs, agg_last_W, agg_last_b)
        emb_q = jnp.where(mask_t[:, None], emb_q_agg, embed_question[q_t])
        gru1_in = jnp.concatenate([emb_q, emb_r], axis=1)
        h1 = _gru_cell(gru1_in, h1, gru1_W_ih, gru1_W_hh, gru1_b_ih, gru1_b_hh)
        gru2_out = _gru_cell(h1, h2, gru2_W_ih, gru2_W_hh, gru2_b_ih, gru2_b_hh)
        q_next = question_seq[:, t + 1]
        emb_qn = embed_question[q_next]
        emb_c = embed_concept[q2c[q_next]]
        question_concept = jnp.concatenate([emb_qn[:, None, :], emb_c], axis=1)
        if t == 0:
            y_cols[0] = _predict(question_concept, gru2_out[:, None, :], query_W, query_b, key_W, key_b, W_W, W_b)
            continue
        current_state = gru2_out[:, None, :]
        if t <= RANK_K:
            cur_hist = jnp.concatenate([current_state, state_history[:, 0:t]], axis=1)
        else:
            Qv = jax.lax.stop_gradient(emb_qn)
            Kv = jax.lax.stop_gradient(embed_question[question_seq[:, 0:t]])
            score = jnp.einsum('btd,bd->bt', Kv, Qv)
            _, idx = jax.lax.top_k(score, RANK_K)
            sel = jnp.take_along_axis(state_history, idx[:, :, None], axis=1)
            cur_hist = jnp.concatenate([current_state, sel], axis=1)
        y_cols[t + 1] = _predict(question_concept, cur_hist, query_W, query_b, key_W, key_b, W_W, W_b)
        h2 = gru2_out
        state_history = state_history.at[:, t].set(gru2_out)
    return jnp.stack(y_cols, axis=1)


def setup_inputs(seed: int = 0):
    key = jax.random.key(seed)
    ks = jax.random.split(key, 40)
    s = 0.05
    inp = {}
    inp['question_seq'] = jax.random.randint(ks[0], (BS, SEQ), 0, NUM_Q)
    inp['correct_seq'] = jax.random.randint(ks[1], (BS, SEQ), 0, 2)
    inp['mask_seq'] = jnp.ones((BS, SEQ), dtype=jnp.int32)
    inp['question_neighbors'] = jax.random.randint(ks[2], (NUM_Q, Q_NB), 0, NUM_C)
    inp['concept_neighbors'] = jax.random.randint(ks[3], (NUM_C, C_NB), 0, NUM_Q)
    inp['q2c'] = jax.random.randint(ks[4], (NUM_Q, NCPQ), 0, NUM_C)
    inp['embed_question'] = jax.random.normal(ks[5], (NUM_Q, DIM), jnp.float32) * s
    inp['embed_concept'] = jax.random.normal(ks[6], (NUM_C, DIM), jnp.float32) * s
    inp['embed_correct'] = jax.random.normal(ks[7], (2, DIM), jnp.float32) * s
    inp['gru1_W_ih'] = jax.random.normal(ks[8], (3 * DIM, 2 * DIM), jnp.float32) * s
    inp['gru1_W_hh'] = jax.random.normal(ks[9], (3 * DIM, DIM), jnp.float32) * s
    inp['gru1_b_ih'] = jnp.zeros((3 * DIM,), jnp.float32)
    inp['gru1_b_hh'] = jnp.zeros((3 * DIM,), jnp.float32)
    inp['gru2_W_ih'] = jax.random.normal(ks[10], (3 * DIM, DIM), jnp.float32) * s
    inp['gru2_W_hh'] = jax.random.normal(ks[11], (3 * DIM, DIM), jnp.float32) * s
    inp['gru2_b_ih'] = jnp.zeros((3 * DIM,), jnp.float32)
    inp['gru2_b_hh'] = jnp.zeros((3 * DIM,), jnp.float32)
    inp['agg_W0'] = jax.random.normal(ks[12], (DIM, DIM), jnp.float32) * s
    inp['agg_b0'] = jnp.zeros((DIM,), jnp.float32)
    inp['agg_W1'] = jax.random.normal(ks[13], (DIM, DIM), jnp.float32) * s
    inp['agg_b1'] = jnp.zeros((DIM,), jnp.float32)
    inp['agg_last_W'] = jax.random.normal(ks[14], (DIM, DIM), jnp.float32) * s
    inp['agg_last_b'] = jnp.zeros((DIM,), jnp.float32)
    inp['query_W'] = jax.random.normal(ks[15], (DIM, DIM), jnp.float32) * s
    inp['query_b'] = jnp.zeros((DIM,), jnp.float32)
    inp['key_W'] = jax.random.normal(ks[16], (DIM, DIM), jnp.float32) * s
    inp['key_b'] = jnp.zeros((DIM,), jnp.float32)
    inp['W_W'] = jax.random.normal(ks[17], (1, 2 * DIM), jnp.float32) * s
    inp['W_b'] = jnp.zeros((1,), jnp.float32)
    bound = float(np.sqrt(6.0 / (BS + DIM)))
    inp['h1_init'] = jax.random.uniform(ks[18], (BS, DIM), jnp.float32, -bound, bound)
    inp['h2_init'] = jax.random.uniform(ks[19], (BS, DIM), jnp.float32, -bound, bound)
    return inp


INT_KEYS = ['question_seq', 'correct_seq', 'mask_seq', 'question_neighbors', 'concept_neighbors', 'q2c']
FLOAT_KEYS = ['embed_question', 'embed_concept', 'embed_correct', 'gru1_W_ih', 'gru1_W_hh', 'gru1_b_ih', 'gru1_b_hh', 'gru2_W_ih', 'gru2_W_hh', 'gru2_b_ih', 'gru2_b_hh', 'agg_W0', 'agg_b0', 'agg_W1', 'agg_b1', 'agg_last_W', 'agg_last_b', 'query_W', 'query_b', 'key_W', 'key_b', 'W_W', 'W_b', 'h1_init', 'h2_init']


def reference(question_seq, correct_seq, mask_seq, question_neighbors, concept_neighbors, q2c,
              embed_question, embed_concept, embed_correct,
              gru1_W_ih, gru1_W_hh, gru1_b_ih, gru1_b_hh,
              gru2_W_ih, gru2_W_hh, gru2_b_ih, gru2_b_hh,
              agg_W0, agg_b0, agg_W1, agg_b1, agg_last_W, agg_last_b,
              query_W, query_b, key_W, key_b, W_W, W_b, h1_init, h2_init):
    return _forward(question_seq, correct_seq, mask_seq, question_neighbors, concept_neighbors, q2c,
                    embed_question, embed_concept, embed_correct,
                    gru1_W_ih, gru1_W_hh, gru1_b_ih, gru1_b_hh,
                    gru2_W_ih, gru2_W_hh, gru2_b_ih, gru2_b_hh,
                    agg_W0, agg_b0, agg_W1, agg_b1, agg_last_W, agg_last_b,
                    query_W, query_b, key_W, key_b, W_W, W_b, h1_init, h2_init)

if __name__ == "__main__":
    import jax
    _d = setup_inputs()
    print(jax.jit(kernel)(*tuple(_d.values())))

</pallas_src>

<mosaic_0001>
#map = affine_map<(d0, d1) -> (0, 0)>
#map1 = affine_map<(d0, d1) -> (0)>
module attributes {stable_mosaic.version = 14 : i64} {
  func.func @k(%arg0: i32, %arg1: i32, %arg2: memref<50000x128xf32, #tpu.memory_space<hbm>>, %arg3: memref<50000x128xi32, #tpu.memory_space<hbm>>, %arg4: memref<2048xi32, #tpu.memory_space<hbm>>, %arg5: memref<128x128xi32, #tpu.memory_space<hbm>>, %arg6: memref<16384x128xf32, #tpu.memory_space<hbm>>, %arg7: memref<2048x128xf32, #tpu.memory_space<hbm>>, %arg8: memref<2048x128xi32, #tpu.memory_space<hbm>>, %arg9: memref<4x128xi32, #tpu.memory_space<vmem>>, %arg10: memref<64xi32, #tpu.memory_space<vmem>>, %arg11: memref<512x128xf32, #tpu.memory_space<vmem>>, %arg12: memref<64x128xf32, #tpu.memory_space<vmem>>, %arg13: memref<64x128xi32, #tpu.memory_space<vmem>>, %arg14: memref<!tpu.dma_semaphore, #tpu.memory_space<semaphore_mem>>) attributes {dimension_semantics = [#tpu.dimension_semantics<core_parallel>, #tpu.dimension_semantics<subcore_parallel>], iteration_bounds = array<i64: 2, 16>, scalar_prefetch = 0 : i64, scratch_operands = 6 : i64, tpu.core_type = #tpu.core_type<sc_vector_subcore>, window_params = [{transform_indices = #map}, {transform_indices = #map}, {transform_indices = #map1}, {transform_indices = #map}, {transform_indices = #map}, {transform_indices = #map}, {transform_indices = #map}]} {
    %mul3A = arith.constant 2 : i32
    %mul3A_0 = arith.muli %arg1, %mul3A : i32
    %add3A = arith.addi %mul3A_0, %arg0 : i32
    %mul3A_1 = arith.constant 4 : i32
    %mul3A_2 = arith.muli %add3A, %mul3A_1 : i32
    "tpu.region"() ({
      %run_scoped3A = tpu.sem_alloc : memref<!tpu.dma_semaphore, #tpu.memory_space<semaphore_mem>>
      %dma_start3A_101 = arith.constant 0 : i32
      %dma_start3A_102 = tpu.memref_slice %arg5[%mul3A_2, %dma_start3A_101] : memref<128x128xi32, #tpu.memory_space<hbm>> -> memref<4x128xi32, #tpu.memory_space<hbm>>
      %dma_start3A_103 = arith.constant 0 : i32
      %dma_start3A_104 = tpu.memref_slice %arg5[%mul3A_2, %dma_start3A_103] : memref<128x128xi32, #tpu.memory_space<hbm>> -> memref<4x128xi32, #tpu.memory_space<hbm>>
      tpu.enqueue_dma source(%dma_start3A_104 : memref<4x128xi32, #tpu.memory_space<hbm>>) target(%arg9 : memref<4x128xi32, #tpu.memory_space<vmem>>) target_semaphore(%run_scoped3A : memref<!tpu.dma_semaphore, #tpu.memory_space<semaphore_mem>>)
      %dma_wait3A_105 = arith.constant 0 : i32
      %dma_wait3A_106 = tpu.memref_slice %arg5[%mul3A_2, %dma_wait3A_105] : memref<128x128xi32, #tpu.memory_space<hbm>> -> memref<4x128xi32, #tpu.memory_space<hbm>>
      %dma_wait3A_107 = arith.constant 0 : i32
      %dma_wait3A_108 = tpu.memref_slice %arg5[%mul3A_2, %dma_wait3A_107] : memref<128x128xi32, #tpu.memory_space<hbm>> -> memref<4x128xi32, #tpu.memory_space<hbm>>
      tpu.wait_dma2 semaphore(%run_scoped3A : memref<!tpu.dma_semaphore, #tpu.memory_space<semaphore_mem>>) src(%dma_wait3A_108 : memref<4x128xi32, #tpu.memory_space<hbm>>) dst(%arg9 : memref<4x128xi32, #tpu.memory_space<vmem>>)
      tpu.yield
    }) : () -> ()
    %mul3A_3 = arith.constant 64 : i32
    %mul3A_4 = arith.muli %add3A, %mul3A_3 : i32
    "tpu.region"() ({
      %run_scoped3A = tpu.sem_alloc : memref<!tpu.dma_semaphore, #tpu.memory_space<semaphore_mem>>
      %dma_start3A_101 = tpu.memref_slice %arg4[%mul3A_4] : memref<2048xi32, #tpu.memory_space<hbm>> -> memref<64xi32, #tpu.memory_space<hbm>>
      %dma_start3A_102 = tpu.memref_slice %arg4[%mul3A_4] : memref<2048xi32, #tpu.memory_space<hbm>> -> memref<64xi32, #tpu.memory_space<hbm>>
      tpu.enqueue_dma source(%dma_start3A_102 : memref<64xi32, #tpu.memory_space<hbm>>) target(%arg10 : memref<64xi32, #tpu.memory_space<vmem>>) target_semaphore(%run_scoped3A : memref<!tpu.dma_semaphore, #tpu.memory_space<semaphore_mem>>)
      %dma_wait3A_103 = tpu.memref_slice %arg4[%mul3A_4] : memref<2048xi32, #tpu.memory_space<hbm>> -> memref<64xi32, #tpu.memory_space<hbm>>
      %dma_wait3A_104 = tpu.memref_slice %arg4[%mul3A_4] : memref<2048xi32, #tpu.memory_space<hbm>> -> memref<64xi32, #tpu.memory_space<hbm>>
      tpu.wait_dma2 semaphore(%run_scoped3A : memref<!tpu.dma_semaphore, #tpu.memory_space<semaphore_mem>>) src(%dma_wait3A_104 : memref<64xi32, #tpu.memory_space<hbm>>) dst(%arg10 : memref<64xi32, #tpu.memory_space<vmem>>)
      tpu.yield
    }) : () -> ()
    %dma_start3A = arith.constant 0 : i32
    %dma_start3A_5 = arith.constant 0 : i32
    %dma_start3A_6 = arith.constant 0 : i32
    %dma_start3A_7 = tpu.memref_slice %arg11[%dma_start3A_5, %dma_start3A_6] : memref<512x128xf32, #tpu.memory_space<vmem>> -> memref<128x128xf32, #tpu.memory_space<vmem>>
    %dma_start3A_8 = arith.constant 0 : i32
    %dma_start3A_9 = tpu.memref_slice %arg9[%dma_start3A, %dma_start3A_8] : memref<4x128xi32, #tpu.memory_space<vmem>> -> memref<1x128xi32, #tpu.memory_space<vmem>>
    %dma_start3A_10 = tpu.memref_squeeze %dma_start3A_9 : memref<1x128xi32, #tpu.memory_space<vmem>> -> memref<128xi32, #tpu.memory_space<vmem>>
    %dma_start3A_11 = arith.constant 0 : i32
    %dma_start3A_12 = arith.constant 0 : i32
    %dma_start3A_13 = tpu.memref_slice %arg2[%dma_start3A_11, %dma_start3A_12] : memref<50000x128xf32, #tpu.memory_space<hbm>> -> memref<50000x128xf32, #tpu.memory_space<hbm>>
    tpu.enqueue_indirect_dma source(%dma_start3A_13 : memref<50000x128xf32, #tpu.memory_space<hbm>>) target(%dma_start3A_7 : memref<128x128xf32, #tpu.memory_space<vmem>>) offsets(%dma_start3A_10 : memref<128xi32, #tpu.memory_space<vmem>>) semaphore(%arg14 : memref<!tpu.dma_semaphore, #tpu.memory_space<semaphore_mem>>)
    %dma_start3A_14 = arith.constant 1 : i32
    %dma_start3A_15 = arith.constant 128 : i32
    %dma_start3A_16 = arith.constant 0 : i32
    %dma_start3A_17 = tpu.memref_slice %arg11[%dma_start3A_15, %dma_start3A_16] : memref<512x128xf32, #tpu.memory_space<vmem>> -> memref<128x128xf32, #tpu.memory_space<vmem>>
    %dma_start3A_18 = arith.constant 0 : i32
    %dma_start3A_19 = tpu.memref_slice %arg9[%dma_start3A_14, %dma_start3A_18] : memref<4x128xi32, #tpu.memory_space<vmem>> -> memref<1x128xi32, #tpu.memory_space<vmem>>
    %dma_start3A_20 = tpu.memref_squeeze %dma_start3A_19 : memref<1x128xi32, #tpu.memory_space<vmem>> -> memref<128xi32, #tpu.memory_space<vmem>>
    %dma_start3A_21 = arith.constant 0 : i32
    %dma_start3A_22 = arith.constant 0 : i32
    %dma_start3A_23 = tpu.memref_slice %arg2[%dma_start3A_21, %dma_start3A_22] : memref<50000x128xf32, #tpu.memory_space<hbm>> -> memref<50000x128xf32, #tpu.memory_space<hbm>>
    tpu.enqueue_indirect_dma source(%dma_start3A_23 : memref<50000x128xf32, #tpu.memory_space<hbm>>) target(%dma_start3A_17 : memref<128x128xf32, #tpu.memory_space<vmem>>) offsets(%dma_start3A_20 : memref<128xi32, #tpu.memory_space<vmem>>) semaphore(%arg14 : memref<!tpu.dma_semaphore, #tpu.memory_space<semaphore_mem>>)
    %dma_start3A_24 = arith.constant 2 : i32
    %dma_start3A_25 = arith.constant 256 : i32
    %dma_start3A_26 = arith.constant 0 : i32
    %dma_start3A_27 = tpu.memref_slice %arg11[%dma_start3A_25, %dma_start3A_26] : memref<512x128xf32, #tpu.memory_space<vmem>> -> memref<128x128xf32, #tpu.memory_space<vmem>>
    %dma_start3A_28 = arith.constant 0 : i32
    %dma_start3A_29 = tpu.memref_slice %arg9[%dma_start3A_24, %dma_start3A_28] : memref<4x128xi32, #tpu.memory_space<vmem>> -> memref<1x128xi32, #tpu.memory_space<vmem>>
    %dma_start3A_30 = tpu.memref_squeeze %dma_start3A_29 : memref<1x128xi32, #tpu.memory_space<vmem>> -> memref<128xi32, #tpu.memory_space<vmem>>
    %dma_start3A_31 = arith.constant 0 : i32
    %dma_start3A_32 = arith.constant 0 : i32
    %dma_start3A_33 = tpu.memref_slice %arg2[%dma_start3A_31, %dma_start3A_32] : memref<50000x128xf32, #tpu.memory_space<hbm>> -> memref<50000x128xf32, #tpu.memory_space<hbm>>
    tpu.enqueue_indirect_dma source(%dma_start3A_33 : memref<50000x128xf32, #tpu.memory_space<hbm>>) target(%dma_start3A_27 : memref<128x128xf32, #tpu.memory_space<vmem>>) offsets(%dma_start3A_30 : memref<128xi32, #tpu.memory_space<vmem>>) semaphore(%arg14 : memref<!tpu.dma_semaphore, #tpu.memory_space<semaphore_mem>>)
    %dma_start3A_34 = arith.constant 3 : i32
    %dma_start3A_35 = arith.constant 384 : i32
    %dma_start3A_36 = arith.constant 0 : i32
    %dma_start3A_37 = tpu.memref_slice %arg11[%dma_start3A_35, %dma_start3A_36] : memref<512x128xf32, #tpu.memory_space<vmem>> -> memref<128x128xf32, #tpu.memory_space<vmem>>
    %dma_start3A_38 = arith.constant 0 : i32
    %dma_start3A_39 = tpu.memref_slice %arg9[%dma_start3A_34, %dma_start3A_38] : memref<4x128xi32, #tpu.memory_space<vmem>> -> memref<1x128xi32, #tpu.memory_space<vmem>>
    %dma_start3A_40 = tpu.memref_squeeze %dma_start3A_39 : memref<1x128xi32, #tpu.memory_space<vmem>> -> memref<128xi32, #tpu.memory_space<vmem>>
    %dma_start3A_41 = arith.constant 0 : i32
    %dma_start3A_42 = arith.constant 0 : i32
    %dma_start3A_43 = tpu.memref_slice %arg2[%dma_start3A_41, %dma_start3A_42] : memref<50000x128xf32, #tpu.memory_space<hbm>> -> memref<50000x128xf32, #tpu.memory_space<hbm>>
    tpu.enqueue_indirect_dma source(%dma_start3A_43 : memref<50000x128xf32, #tpu.memory_space<hbm>>) target(%dma_start3A_37 : memref<128x128xf32, #tpu.memory_space<vmem>>) offsets(%dma_start3A_40 : memref<128xi32, #tpu.memory_space<vmem>>) semaphore(%arg14 : memref<!tpu.dma_semaphore, #tpu.memory_space<semaphore_mem>>)
    %dma_start3A_44 = arith.constant 0 : i32
    %dma_start3A_45 = arith.constant 0 : i32
    %dma_start3A_46 = tpu.memref_slice %arg2[%dma_start3A_44, %dma_start3A_45] : memref<50000x128xf32, #tpu.memory_space<hbm>> -> memref<50000x128xf32, #tpu.memory_space<hbm>>
    tpu.enqueue_indirect_dma source(%dma_start3A_46 : memref<50000x128xf32, #tpu.memory_space<hbm>>) target(%arg12 : memref<64x128xf32, #tpu.memory_space<vmem>>) offsets(%arg10 : memref<64xi32, #tpu.memory_space<vmem>>) semaphore(%arg14 : memref<!tpu.dma_semaphore, #tpu.memory_space<semaphore_mem>>)
    %dma_start3A_47 = arith.constant 0 : i32
    %dma_start3A_48 = arith.constant 0 : i32
    %dma_start3A_49 = tpu.memref_slice %arg3[%dma_start3A_47, %dma_start3A_48] : memref<50000x128xi32, #tpu.memory_space<hbm>> -> memref<50000x128xi32, #tpu.memory_space<hbm>>
    tpu.enqueue_indirect_dma source(%dma_start3A_49 : memref<50000x128xi32, #tpu.memory_space<hbm>>) target(%arg13 : memref<64x128xi32, #tpu.memory_space<vmem>>) offsets(%arg10 : memref<64xi32, #tpu.memory_space<vmem>>) semaphore(%arg14 : memref<!tpu.dma_semaphore, #tpu.memory_space<semaphore_mem>>)
    %dma_wait3A = arith.constant 0 : i32
    %dma_wait3A_50 = arith.constant 0 : i32
    %dma_wait3A_51 = arith.constant 0 : i32
    %dma_wait3A_52 = tpu.memref_slice %arg11[%dma_wait3A_50, %dma_wait3A_51] : memref<512x128xf32, #tpu.memory_space<vmem>> -> memref<128x128xf32, #tpu.memory_space<vmem>>
    %dma_wait3A_53 = arith.constant 0 : i32
    %dma_wait3A_54 = tpu.memref_slice %arg9[%dma_wait3A, %dma_wait3A_53] : memref<4x128xi32, #tpu.memory_space<vmem>> -> memref<1x128xi32, #tpu.memory_space<vmem>>
    %dma_wait3A_55 = tpu.memref_squeeze %dma_wait3A_54 : memref<1x128xi32, #tpu.memory_space<vmem>> -> memref<128xi32, #tpu.memory_space<vmem>>
    %dma_wait3A_56 = arith.constant 0 : i32
    %dma_wait3A_57 = arith.constant 0 : i32
    %dma_wait3A_58 = tpu.memref_slice %arg2[%dma_wait3A_56, %dma_wait3A_57] : memref<50000x128xf32, #tpu.memory_space<hbm>> -> memref<50000x128xf32, #tpu.memory_space<hbm>>
    tpu.wait_indirect_dma semaphore(%arg14 : memref<!tpu.dma_semaphore, #tpu.memory_space<semaphore_mem>>) src(%dma_wait3A_58 : memref<50000x128xf32, #tpu.memory_space<hbm>>) dst(%dma_wait3A_52 : memref<128x128xf32, #tpu.memory_space<vmem>>)
    %dma_wait3A_59 = arith.constant 1 : i32
    %dma_wait3A_60 = arith.constant 128 : i32
    %dma_wait3A_61 = arith.constant 0 : i32
    %dma_wait3A_62 = tpu.memref_slice %arg11[%dma_wait3A_60, %dma_wait3A_61] : memref<512x128xf32, #tpu.memory_space<vmem>> -> memref<128x128xf32, #tpu.memory_space<vmem>>
    %dma_wait3A_63 = arith.constant 0 : i32
    %dma_wait3A_64 = tpu.memref_slice %arg9[%dma_wait3A_59, %dma_wait3A_63] : memref<4x128xi32, #tpu.memory_space<vmem>> -> memref<1x128xi32, #tpu.memory_space<vmem>>
    %dma_wait3A_65 = tpu.memref_squeeze %dma_wait3A_64 : memref<1x128xi32, #tpu.memory_space<vmem>> -> memref<128xi32, #tpu.memory_space<vmem>>
    %dma_wait3A_66 = arith.constant 0 : i32
    %dma_wait3A_67 = arith.constant 0 : i32
    %dma_wait3A_68 = tpu.memref_slice %arg2[%dma_wait3A_66, %dma_wait3A_67] : memref<50000x128xf32, #tpu.memory_space<hbm>> -> memref<50000x128xf32, #tpu.memory_space<hbm>>
    tpu.wait_indirect_dma semaphore(%arg14 : memref<!tpu.dma_semaphore, #tpu.memory_space<semaphore_mem>>) src(%dma_wait3A_68 : memref<50000x128xf32, #tpu.memory_space<hbm>>) dst(%dma_wait3A_62 : memref<128x128xf32, #tpu.memory_space<vmem>>)
    %dma_wait3A_69 = arith.constant 2 : i32
    %dma_wait3A_70 = arith.constant 256 : i32
    %dma_wait3A_71 = arith.constant 0 : i32
    %dma_wait3A_72 = tpu.memref_slice %arg11[%dma_wait3A_70, %dma_wait3A_71] : memref<512x128xf32, #tpu.memory_space<vmem>> -> memref<128x128xf32, #tpu.memory_space<vmem>>
    %dma_wait3A_73 = arith.constant 0 : i32
    %dma_wait3A_74 = tpu.memref_slice %arg9[%dma_wait3A_69, %dma_wait3A_73] : memref<4x128xi32, #tpu.memory_space<vmem>> -> memref<1x128xi32, #tpu.memory_space<vmem>>
    %dma_wait3A_75 = tpu.memref_squeeze %dma_wait3A_74 : memref<1x128xi32, #tpu.memory_space<vmem>> -> memref<128xi32, #tpu.memory_space<vmem>>
    %dma_wait3A_76 = arith.constant 0 : i32
    %dma_wait3A_77 = arith.constant 0 : i32
    %dma_wait3A_78 = tpu.memref_slice %arg2[%dma_wait3A_76, %dma_wait3A_77] : memref<50000x128xf32, #tpu.memory_space<hbm>> -> memref<50000x128xf32, #tpu.memory_space<hbm>>
    tpu.wait_indirect_dma semaphore(%arg14 : memref<!tpu.dma_semaphore, #tpu.memory_space<semaphore_mem>>) src(%dma_wait3A_78 : memref<50000x128xf32, #tpu.memory_space<hbm>>) dst(%dma_wait3A_72 : memref<128x128xf32, #tpu.memory_space<vmem>>)
    %dma_wait3A_79 = arith.constant 3 : i32
    %dma_wait3A_80 = arith.constant 384 : i32
    %dma_wait3A_81 = arith.constant 0 : i32
    %dma_wait3A_82 = tpu.memref_slice %arg11[%dma_wait3A_80, %dma_wait3A_81] : memref<512x128xf32, #tpu.memory_space<vmem>> -> memref<128x128xf32, #tpu.memory_space<vmem>>
    %dma_wait3A_83 = arith.constant 0 : i32
    %dma_wait3A_84 = tpu.memref_slice %arg9[%dma_wait3A_79, %dma_wait3A_83] : memref<4x128xi32, #tpu.memory_space<vmem>> -> memref<1x128xi32, #tpu.memory_space<vmem>>
    %dma_wait3A_85 = tpu.memref_squeeze %dma_wait3A_84 : memref<1x128xi32, #tpu.memory_space<vmem>> -> memref<128xi32, #tpu.memory_space<vmem>>
    %dma_wait3A_86 = arith.constant 0 : i32
    %dma_wait3A_87 = arith.constant 0 : i32
    %dma_wait3A_88 = tpu.memref_slice %arg2[%dma_wait3A_86, %dma_wait3A_87] : memref<50000x128xf32, #tpu.memory_space<hbm>> -> memref<50000x128xf32, #tpu.memory_space<hbm>>
    tpu.wait_indirect_dma semaphore(%arg14 : memref<!tpu.dma_semaphore, #tpu.memory_space<semaphore_mem>>) src(%dma_wait3A_88 : memref<50000x128xf32, #tpu.memory_space<hbm>>) dst(%dma_wait3A_82 : memref<128x128xf32, #tpu.memory_space<vmem>>)
    %dma_wait3A_89 = arith.constant 0 : i32
    %dma_wait3A_90 = arith.constant 0 : i32
    %dma_wait3A_91 = tpu.memref_slice %arg2[%dma_wait3A_89, %dma_wait3A_90] : memref<50000x128xf32, #tpu.memory_space<hbm>> -> memref<50000x128xf32, #tpu.memory_space<hbm>>
    tpu.wait_indirect_dma semaphore(%arg14 : memref<!tpu.dma_semaphore, #tpu.memory_space<semaphore_mem>>) src(%dma_wait3A_91 : memref<50000x128xf32, #tpu.memory_space<hbm>>) dst(%arg12 : memref<64x128xf32, #tpu.memory_space<vmem>>)
    %dma_wait3A_92 = arith.constant 0 : i32
    %dma_wait3A_93 = arith.constant 0 : i32
    %dma_wait3A_94 = tpu.memref_slice %arg3[%dma_wait3A_92, %dma_wait3A_93] : memref<50000x128xi32, #tpu.memory_space<hbm>> -> memref<50000x128xi32, #tpu.memory_space<hbm>>
    tpu.wait_indirect_dma semaphore(%arg14 : memref<!tpu.dma_semaphore, #tpu.memory_space<semaphore_mem>>) src(%dma_wait3A_94 : memref<50000x128xi32, #tpu.memory_space<hbm>>) dst(%arg13 : memref<64x128xi32, #tpu.memory_space<vmem>>)
    %mul3A_95 = arith.constant 512 : i32
    %mul3A_96 = arith.muli %add3A, %mul3A_95 : i32
    "tpu.region"() ({
      %run_scoped3A = tpu.sem_alloc : memref<!tpu.dma_semaphore, #tpu.memory_space<semaphore_mem>>
      %dma_start3A_101 = arith.constant 0 : i32
      %dma_start3A_102 = tpu.memref_slice %arg6[%mul3A_96, %dma_start3A_101] : memref<16384x128xf32, #tpu.memory_space<hbm>> -> memref<512x128xf32, #tpu.memory_space<hbm>>
      %dma_start3A_103 = arith.constant 0 : i32
      %dma_start3A_104 = tpu.memref_slice %arg6[%mul3A_96, %dma_start3A_103] : memref<16384x128xf32, #tpu.memory_space<hbm>> -> memref<512x128xf32, #tpu.memory_space<hbm>>
      tpu.enqueue_dma source(%arg11 : memref<512x128xf32, #tpu.memory_space<vmem>>) target(%dma_start3A_104 : memref<512x128xf32, #tpu.memory_space<hbm>>) target_semaphore(%run_scoped3A : memref<!tpu.dma_semaphore, #tpu.memory_space<semaphore_mem>>)
      %dma_wait3A_105 = arith.constant 0 : i32
      %dma_wait3A_106 = tpu.memref_slice %arg6[%mul3A_96, %dma_wait3A_105] : memref<16384x128xf32, #tpu.memory_space<hbm>> -> memref<512x128xf32, #tpu.memory_space<hbm>>
      %dma_wait3A_107 = arith.constant 0 : i32
      %dma_wait3A_108 = tpu.memref_slice %arg6[%mul3A_96, %dma_wait3A_107] : memref<16384x128xf32, #tpu.memory_space<hbm>> -> memref<512x128xf32, #tpu.memory_space<hbm>>
      tpu.wait_dma2 semaphore(%run_scoped3A : memref<!tpu.dma_semaphore, #tpu.memory_space<semaphore_mem>>) src(%arg11 : memref<512x128xf32, #tpu.memory_space<vmem>>) dst(%dma_wait3A_108 : memref<512x128xf32, #tpu.memory_space<hbm>>)
      tpu.yield
    }) : () -> ()
    %mul3A_97 = arith.constant 64 : i32
    %mul3A_98 = arith.muli %add3A, %mul3A_97 : i32
    "tpu.region"() ({
      %run_scoped3A = tpu.sem_alloc : memref<!tpu.dma_semaphore, #tpu.memory_space<semaphore_mem>>
      %dma_start3A_101 = arith.constant 0 : i32
      %dma_start3A_102 = tpu.memref_slice %arg7[%mul3A_98, %dma_start3A_101] : memref<2048x128xf32, #tpu.memory_space<hbm>> -> memref<64x128xf32, #tpu.memory_space<hbm>>
      %dma_start3A_103 = arith.constant 0 : i32
      %dma_start3A_104 = tpu.memref_slice %arg7[%mul3A_98, %dma_start3A_103] : memref<2048x128xf32, #tpu.memory_space<hbm>> -> memref<64x128xf32, #tpu.memory_space<hbm>>
      tpu.enqueue_dma source(%arg12 : memref<64x128xf32, #tpu.memory_space<vmem>>) target(%dma_start3A_104 : memref<64x128xf32, #tpu.memory_space<hbm>>) target_semaphore(%run_scoped3A : memref<!tpu.dma_semaphore, #tpu.memory_space<semaphore_mem>>)
      %dma_wait3A_105 = arith.constant 0 : i32
      %dma_wait3A_106 = tpu.memref_slice %arg7[%mul3A_98, %dma_wait3A_105] : memref<2048x128xf32, #tpu.memory_space<hbm>> -> memref<64x128xf32, #tpu.memory_space<hbm>>
      %dma_wait3A_107 = arith.constant 0 : i32
      %dma_wait3A_108 = tpu.memref_slice %arg7[%mul3A_98, %dma_wait3A_107] : memref<2048x128xf32, #tpu.memory_space<hbm>> -> memref<64x128xf32, #tpu.memory_space<hbm>>
      tpu.wait_dma2 semaphore(%run_scoped3A : memref<!tpu.dma_semaphore, #tpu.memory_space<semaphore_mem>>) src(%arg12 : memref<64x128xf32, #tpu.memory_space<vmem>>) dst(%dma_wait3A_108 : memref<64x128xf32, #tpu.memory_space<hbm>>)
      tpu.yield
    }) : () -> ()
    %mul3A_99 = arith.constant 64 : i32
    %mul3A_100 = arith.muli %add3A, %mul3A_99 : i32
    "tpu.region"() ({
      %run_scoped3A = tpu.sem_alloc : memref<!tpu.dma_semaphore, #tpu.memory_space<semaphore_mem>>
      %dma_start3A_101 = arith.constant 0 : i32
      %dma_start3A_102 = tpu.memref_slice %arg8[%mul3A_100, %dma_start3A_101] : memref<2048x128xi32, #tpu.memory_space<hbm>> -> memref<64x128xi32, #tpu.memory_space<hbm>>
      %dma_start3A_103 = arith.constant 0 : i32
      %dma_start3A_104 = tpu.memref_slice %arg8[%mul3A_100, %dma_start3A_103] : memref<2048x128xi32, #tpu.memory_space<hbm>> -> memref<64x128xi32, #tpu.memory_space<hbm>>
      tpu.enqueue_dma source(%arg13 : memref<64x128xi32, #tpu.memory_space<vmem>>) target(%dma_start3A_104 : memref<64x128xi32, #tpu.memory_space<hbm>>) target_semaphore(%run_scoped3A : memref<!tpu.dma_semaphore, #tpu.memory_space<semaphore_mem>>)
      %dma_wait3A_105 = arith.constant 0 : i32
      %dma_wait3A_106 = tpu.memref_slice %arg8[%mul3A_100, %dma_wait3A_105] : memref<2048x128xi32, #tpu.memory_space<hbm>> -> memref<64x128xi32, #tpu.memory_space<hbm>>
      %dma_wait3A_107 = arith.constant 0 : i32
      %dma_wait3A_108 = tpu.memref_slice %arg8[%mul3A_100, %dma_wait3A_107] : memref<2048x128xi32, #tpu.memory_space<hbm>> -> memref<64x128xi32, #tpu.memory_space<hbm>>
      tpu.wait_dma2 semaphore(%run_scoped3A : memref<!tpu.dma_semaphore, #tpu.memory_space<semaphore_mem>>) src(%arg13 : memref<64x128xi32, #tpu.memory_space<vmem>>) dst(%dma_wait3A_108 : memref<64x128xi32, #tpu.memory_space<hbm>>)
      tpu.yield
    }) : () -> ()
    return
  }
}

module attributes {stable_mosaic.version = 14 : i64} {
  func.func @_a3_body(%arg0: i32, %arg1: memref<32x64x128xf32, #tpu.memory_space<vmem>>, %arg2: memref<64x32x64xf32, #tpu.memory_space<vmem>>) attributes {dimension_semantics = [#tpu.dimension_semantics<arbitrary>], iteration_bounds = array<i64: 1>, scalar_prefetch = 0 : i64, scratch_operands = 0 : i64, tpu.core_type = #tpu.core_type<tc>, window_params = [{pipeline_mode = #tpu.pipeline_mode<synchronous>, transform_indices = @transform_0, window_bounds = array<i64: 32, 64, 128>}, {pipeline_mode = #tpu.pipeline_mode<synchronous>, transform_indices = @transform_1, window_bounds = array<i64: 64, 32, 64>}]} {
    %get3A = arith.constant 0 : index
    %get3A_0 = arith.constant 0 : index
    %get3A_1 = arith.constant 0 : index
    %get3A_2 = vector.load %arg1[%get3A, %get3A_0, %get3A_1] : memref<32x64x128xf32, #tpu.memory_space<vmem>>, vector<32x64x128xf32>
    %slice3A = vector.extract_strided_slice %get3A_2 {offsets = [0, 1, 0], sizes = [32, 63, 128], strides = [1, 1, 1]} : vector<32x64x128xf32> to vector<32x63x128xf32>
    %slice3A_3 = vector.extract_strided_slice %get3A_2 {offsets = [0, 0, 0], sizes = [32, 1, 128], strides = [1, 1, 1]} : vector<32x64x128xf32> to vector<32x1x128xf32>
    %concatenate3A = tpu.concatenate %slice3A, %slice3A_3 in 1 : vector<32x63x128xf32>, vector<32x1x128xf32> -> vector<32x64x128xf32>
    %dot_general3A = arith.constant dense<0.000000e+00> : vector<32x64x64xf32>
    %dot_general3A_4 = tpu.matmul %concatenate3A, %get3A_2, %dot_general3A {dimension_numbers = #tpu.dot_dimension_numbers<[2], [2], [1], [1], [0, 0, 0, 1, 1, 1], [0], [0]>, transpose_lhs_hint = false} : vector<32x64x128xf32>, vector<32x64x128xf32>, vector<32x64x64xf32> -> vector<32x64x64xf32>
    %iota3A = tpu.iota {dimensions = array<i32: 1>} : vector<32x64x64xi32>
    %iota3A_5 = tpu.iota {dimensions = array<i32: 2>} : vector<32x64x64xi32>
    %lt3A = arith.cmpi slt, %iota3A_5, %iota3A : vector<32x64x64xi32>
    %jit3A = arith.constant -1.000000e+30 : f32
    %broadcast_in_dim3A = vector.broadcast %jit3A : f32 to vector<32x64x64xf32>
    %select_n3A = arith.select %lt3A, %dot_general3A_4, %broadcast_in_dim3A : vector<32x64x64xi1>, vector<32x64x64xf32>
    %slice3A_6 = vector.extract_strided_slice %iota3A {offsets = [0, 0, 0], sizes = [32, 64, 1], strides = [1, 1, 1]} : vector<32x64x64xi32> to vector<32x64x1xi32>
    %min3A = arith.constant 10 : i32
    %min3A_7 = vector.broadcast %min3A : i32 to vector<32x64x1xi32>
    %min3A_8 = arith.minsi %slice3A_6, %min3A_7 : vector<32x64x1xi32>
    %eq3A = arith.cmpi eq, %iota3A_5, %iota3A : vector<32x64x64xi32>
    %reduce_max3A = arith.constant dense<0xFF800000> : vector<32x64xf32>
    %reduce_max3A_9 = vector.multi_reduction <maximumf>, %select_n3A, %reduce_max3A [2] : vector<32x64x64xf32> to vector<32x64xf32>
    %broadcast_in_dim3A_10 = vector.shape_cast %reduce_max3A_9 : vector<32x64xf32> to vector<32x64x1xf32>
    %eq3A_11 = vector.broadcast %broadcast_in_dim3A_10 : vector<32x64x1xf32> to vector<32x64x64xf32>
    %eq3A_12 = arith.cmpf oeq, %select_n3A, %eq3A_11 : vector<32x64x64xf32>
    %jit3A_13 = arith.constant 9999 : i32
    %broadcast_in_dim3A_14 = vector.broadcast %jit3A_13 : i32 to vector<32x64x64xi32>
    %select_n3A_15 = arith.select %eq3A_12, %iota3A_5, %broadcast_in_dim3A_14 : vector<32x64x64xi1>, vector<32x64x64xi32>
    %reduce_min3A = arith.constant dense<2147483647> : vector<32x64xi32>
    %reduce_min3A_16 = vector.multi_reduction <minsi>, %select_n3A_15, %reduce_min3A [2] : vector<32x64x64xi32> to vector<32x64xi32>
    %broadcast_in_dim3A_17 = vector.shape_cast %reduce_min3A_16 : vector<32x64xi32> to vector<32x64x1xi32>
    %eq3A_18 = vector.broadcast %broadcast_in_dim3A_17 : vector<32x64x1xi32> to vector<32x64x64xi32>
    %eq3A_19 = arith.cmpi eq, %iota3A_5, %eq3A_18 : vector<32x64x64xi32>
    %gt3A = arith.constant 0 : i32
    %gt3A_20 = vector.broadcast %gt3A : i32 to vector<32x64x1xi32>
    %gt3A_21 = arith.cmpi sgt, %min3A_8, %gt3A_20 : vector<32x64x1xi32>
    %and3A = vector.broadcast %gt3A_21 : vector<32x64x1xi1> to vector<32x64x64xi1>
    %and3A_22 = arith.andi %eq3A_19, %and3A : vector<32x64x64xi1>
    %or3A = arith.ori %eq3A, %and3A_22 : vector<32x64x64xi1>
    %jit3A_23 = arith.constant -1.000000e+30 : f32
    %broadcast_in_dim3A_24 = vector.broadcast %jit3A_23 : f32 to vector<32x64x64xf32>
    %select_n3A_25 = arith.select %and3A_22, %broadcast_in_dim3A_24, %select_n3A : vector<32x64x64xi1>, vector<32x64x64xf32>
    %reduce_max3A_26 = arith.constant dense<0xFF800000> : vector<32x64xf32>
    %reduce_max3A_27 = vector.multi_reduction <maximumf>, %select_n3A_25, %reduce_max3A_26 [2] : vector<32x64x64xf32> to vector<32x64xf32>
    %broadcast_in_dim3A_28 = vector.shape_cast %reduce_max3A_27 : vector<32x64xf32> to vector<32x64x1xf32>
    %eq3A_29 = vector.broadcast %broadcast_in_dim3A_28 : vector<32x64x1xf32> to vector<32x64x64xf32>
    %eq3A_30 = arith.cmpf oeq, %select_n3A_25, %eq3A_29 : vector<32x64x64xf32>
    %jit3A_31 = arith.constant 9999 : i32
    %broadcast_in_dim3A_32 = vector.broadcast %jit3A_31 : i32 to vector<32x64x64xi32>
    %select_n3A_33 = arith.select %eq3A_30, %iota3A_5, %broadcast_in_dim3A_32 : vector<32x64x64xi1>, vector<32x64x64xi32>
    %reduce_min3A_34 = arith.constant dense<2147483647> : vector<32x64xi32>
    %reduce_min3A_35 = vector.multi_reduction <minsi>, %select_n3A_33, %reduce_min3A_34 [2] : vector<32x64x64xi32> to vector<32x64xi32>
    %broadcast_in_dim3A_36 = vector.shape_cast %reduce_min3A_35 : vector<32x64xi32> to vector<32x64x1xi32>
    %eq3A_37 = vector.broadcast %broadcast_in_dim3A_36 : vector<32x64x1xi32> to vector<32x64x64xi32>
    %eq3A_38 = arith.cmpi eq, %iota3A_5, %eq3A_37 : vector<32x64x64xi32>
    %gt3A_39 = arith.constant 1 : i32
    %gt3A_40 = vector.broadcast %gt3A_39 : i32 to vector<32x64x1xi32>
    %gt3A_41 = arith.cmpi sgt, %min3A_8, %gt3A_40 : vector<32x64x1xi32>
    %and3A_42 = vector.broadcast %gt3A_41 : vector<32x64x1xi1> to vector<32x64x64xi1>
    %and3A_43 = arith.andi %eq3A_38, %and3A_42 : vector<32x64x64xi1>
    %or3A_44 = arith.ori %or3A, %and3A_43 : vector<32x64x64xi1>
    %jit3A_45 = arith.constant -1.000000e+30 : f32
    %broadcast_in_dim3A_46 = vector.broadcast %jit3A_45 : f32 to vector<32x64x64xf32>
    %select_n3A_47 = arith.select %and3A_43, %broadcast_in_dim3A_46, %select_n3A_25 : vector<32x64x64xi1>, vector<32x64x64xf32>
    %reduce_max3A_48 = arith.constant dense<0xFF800000> : vector<32x64xf32>
    %reduce_max3A_49 = vector.multi_reduction <maximumf>, %select_n3A_47, %reduce_max3A_48 [2] : vector<32x64x64xf32> to vector<32x64xf32>
    %broadcast_in_dim3A_50 = vector.shape_cast %reduce_max3A_49 : vector<32x64xf32> to vector<32x64x1xf32>
    %eq3A_51 = vector.broadcast %broadcast_in_dim3A_50 : vector<32x64x1xf32> to vector<32x64x64xf32>
    %eq3A_52 = arith.cmpf oeq, %select_n3A_47, %eq3A_51 : vector<32x64x64xf32>
    %jit3A_53 = arith.constant 9999 : i32
    %broadcast_in_dim3A_54 = vector.broadcast %jit3A_53 : i32 to vector<32x64x64xi32>
    %select_n3A_55 = arith.select %eq3A_52, %iota3A_5, %broadcast_in_dim3A_54 : vector<32x64x64xi1>, vector<32x64x64xi32>
    %reduce_min3A_56 = arith.constant dense<2147483647> : vector<32x64xi32>
    %reduce_min3A_57 = vector.multi_reduction <minsi>, %select_n3A_55, %reduce_min3A_56 [2] : vector<32x64x64xi32> to vector<32x64xi32>
    %broadcast_in_dim3A_58 = vector.shape_cast %reduce_min3A_57 : vector<32x64xi32> to vector<32x64x1xi32>
    %eq3A_59 = vector.broadcast %broadcast_in_dim3A_58 : vector<32x64x1xi32> to vector<32x64x64xi32>
    %eq3A_60 = arith.cmpi eq, %iota3A_5, %eq3A_59 : vector<32x64x64xi32>
    %gt3A_61 = arith.constant 2 : i32
    %gt3A_62 = vector.broadcast %gt3A_61 : i32 to vector<32x64x1xi32>
    %gt3A_63 = arith.cmpi sgt, %min3A_8, %gt3A_62 : vector<32x64x1xi32>
    %and3A_64 = vector.broadcast %gt3A_63 : vector<32x64x1xi1> to vector<32x64x64xi1>
    %and3A_65 = arith.andi %eq3A_60, %and3A_64 : vector<32x64x64xi1>
    %or3A_66 = arith.ori %or3A_44, %and3A_65 : vector<32x64x64xi1>
    %jit3A_67 = arith.constant -1.000000e+30 : f32
    %broadcast_in_dim3A_68 = vector.broadcast %jit3A_67 : f32 to vector<32x64x64xf32>
    %select_n3A_69 = arith.select %and3A_65, %broadcast_in_dim3A_68, %select_n3A_47 : vector<32x64x64xi1>, vector<32x64x64xf32>
    %reduce_max3A_70 = arith.constant dense<0xFF800000> : vector<32x64xf32>
    %reduce_max3A_71 = vector.multi_reduction <maximumf>, %select_n3A_69, %reduce_max3A_70 [2] : vector<32x64x64xf32> to vector<32x64xf32>
    %broadcast_in_dim3A_72 = vector.shape_cast %reduce_max3A_71 : vector<32x64xf32> to vector<32x64x1xf32>
    %eq3A_73 = vector.broadcast %broadcast_in_dim3A_72 : vector<32x64x1xf32> to vector<32x64x64xf32>
    %eq3A_74 = arith.cmpf oeq, %select_n3A_69, %eq3A_73 : vector<32x64x64xf32>
    %jit3A_75 = arith.constant 9999 : i32
    %broadcast_in_dim3A_76 = vector.broadcast %jit3A_75 : i32 to vector<32x64x64xi32>
    %select_n3A_77 = arith.select %eq3A_74, %iota3A_5, %broadcast_in_dim3A_76 : vector<32x64x64xi1>, vector<32x64x64xi32>
    %reduce_min3A_78 = arith.constant dense<2147483647> : vector<32x64xi32>
    %reduce_min3A_79 = vector.multi_reduction <minsi>, %select_n3A_77, %reduce_min3A_78 [2] : vector<32x64x64xi32> to vector<32x64xi32>
    %broadcast_in_dim3A_80 = vector.shape_cast %reduce_min3A_79 : vector<32x64xi32> to vector<32x64x1xi32>
    %eq3A_81 = vector.broadcast %broadcast_in_dim3A_80 : vector<32x64x1xi32> to vector<32x64x64xi32>
    %eq3A_82 = arith.cmpi eq, %iota3A_5, %eq3A_81 : vector<32x64x64xi32>
    %gt3A_83 = arith.constant 3 : i32
    %gt3A_84 = vector.broadcast %gt3A_83 : i32 to vector<32x64x1xi32>
    %gt3A_85 = arith.cmpi sgt, %min3A_8, %gt3A_84 : vector<32x64x1xi32>
    %and3A_86 = vector.broadcast %gt3A_85 : vector<32x64x1xi1> to vector<32x64x64xi1>
    %and3A_87 = arith.andi %eq3A_82, %and3A_86 : vector<32x64x64xi1>
    %or3A_88 = arith.ori %or3A_66, %and3A_87 : vector<32x64x64xi1>
    %jit3A_89 = arith.constant -1.000000e+30 : f32
    %broadcast_in_dim3A_90 = vector.broadcast %jit3A_89 : f32 to vector<32x64x64xf32>
    %select_n3A_91 = arith.select %and3A_87, %broadcast_in_dim3A_90, %select_n3A_69 : vector<32x64x64xi1>, vector<32x64x64xf32>
    %reduce_max3A_92 = arith.constant dense<0xFF800000> : vector<32x64xf32>
    %reduce_max3A_93 = vector.multi_reduction <maximumf>, %select_n3A_91, %reduce_max3A_92 [2] : vector<32x64x64xf32> to vector<32x64xf32>
    %broadcast_in_dim3A_94 = vector.shape_cast %reduce_max3A_93 : vector<32x64xf32> to vector<32x64x1xf32>
    %eq3A_95 = vector.broadcast %broadcast_in_dim3A_94 : vector<32x64x1xf32> to vector<32x64x64xf32>
    %eq3A_96 = arith.cmpf oeq, %select_n3A_91, %eq3A_95 : vector<32x64x64xf32>
    %jit3A_97 = arith.constant 9999 : i32
    %broadcast_in_dim3A_98 = vector.broadcast %jit3A_97 : i32 to vector<32x64x64xi32>
    %select_n3A_99 = arith.select %eq3A_96, %iota3A_5, %broadcast_in_dim3A_98 : vector<32x64x64xi1>, vector<32x64x64xi32>
    %reduce_min3A_100 = arith.constant dense<2147483647> : vector<32x64xi32>
    %reduce_min3A_101 = vector.multi_reduction <minsi>, %select_n3A_99, %reduce_min3A_100 [2] : vector<32x64x64xi32> to vector<32x64xi32>
    %broadcast_in_dim3A_102 = vector.shape_cast %reduce_min3A_101 : vector<32x64xi32> to vector<32x64x1xi32>
    %eq3A_103 = vector.broadcast %broadcast_in_dim3A_102 : vector<32x64x1xi32> to vector<32x64x64xi32>
    %eq3A_104 = arith.cmpi eq, %iota3A_5, %eq3A_103 : vector<32x64x64xi32>
    %gt3A_105 = arith.constant 4 : i32
    %gt3A_106 = vector.broadcast %gt3A_105 : i32 to vector<32x64x1xi32>
    %gt3A_107 = arith.cmpi sgt, %min3A_8, %gt3A_106 : vector<32x64x1xi32>
    %and3A_108 = vector.broadcast %gt3A_107 : vector<32x64x1xi1> to vector<32x64x64xi1>
    %and3A_109 = arith.andi %eq3A_104, %and3A_108 : vector<32x64x64xi1>
    %or3A_110 = arith.ori %or3A_88, %and3A_109 : vector<32x64x64xi1>
    %jit3A_111 = arith.constant -1.000000e+30 : f32
    %broadcast_in_dim3A_112 = vector.broadcast %jit3A_111 : f32 to vector<32x64x64xf32>
    %select_n3A_113 = arith.select %and3A_109, %broadcast_in_dim3A_112, %select_n3A_91 : vector<32x64x64xi1>, vector<32x64x64xf32>
    %reduce_max3A_114 = arith.constant dense<0xFF800000> : vector<32x64xf32>
    %reduce_max3A_115 = vector.multi_reduction <maximumf>, %select_n3A_113, %reduce_max3A_114 [2] : vector<32x64x64xf32> to vector<32x64xf32>
    %broadcast_in_dim3A_116 = vector.shape_cast %reduce_max3A_115 : vector<32x64xf32> to vector<32x64x1xf32>
    %eq3A_117 = vector.broadcast %broadcast_in_dim3A_116 : vector<32x64x1xf32> to vector<32x64x64xf32>
    %eq3A_118 = arith.cmpf oeq, %select_n3A_113, %eq3A_117 : vector<32x64x64xf32>
    %jit3A_119 = arith.constant 9999 : i32
    %broadcast_in_dim3A_120 = vector.broadcast %jit3A_119 : i32 to vector<32x64x64xi32>
    %select_n3A_121 = arith.select %eq3A_118, %iota3A_5, %broadcast_in_dim3A_120 : vector<32x64x64xi1>, vector<32x64x64xi32>
    %reduce_min3A_122 = arith.constant dense<2147483647> : vector<32x64xi32>
    %reduce_min3A_123 = vector.multi_reduction <minsi>, %select_n3A_121, %reduce_min3A_122 [2] : vector<32x64x64xi32> to vector<32x64xi32>
    %broadcast_in_dim3A_124 = vector.shape_cast %reduce_min3A_123 : vector<32x64xi32> to vector<32x64x1xi32>
    %eq3A_125 = vector.broadcast %broadcast_in_dim3A_124 : vector<32x64x1xi32> to vector<32x64x64xi32>
    %eq3A_126 = arith.cmpi eq, %iota3A_5, %eq3A_125 : vector<32x64x64xi32>
    %gt3A_127 = arith.constant 5 : i32
    %gt3A_128 = vector.broadcast %gt3A_127 : i32 to vector<32x64x1xi32>
    %gt3A_129 = arith.cmpi sgt, %min3A_8, %gt3A_128 : vector<32x64x1xi32>
    %and3A_130 = vector.broadcast %gt3A_129 : vector<32x64x1xi1> to vector<32x64x64xi1>
    %and3A_131 = arith.andi %eq3A_126, %and3A_130 : vector<32x64x64xi1>
    %or3A_132 = arith.ori %or3A_110, %and3A_131 : vector<32x64x64xi1>
    %jit3A_133 = arith.constant -1.000000e+30 : f32
    %broadcast_in_dim3A_134 = vector.broadcast %jit3A_133 : f32 to vector<32x64x64xf32>
    %select_n3A_135 = arith.select %and3A_131, %broadcast_in_dim3A_134, %select_n3A_113 : vector<32x64x64xi1>, vector<32x64x64xf32>
    %reduce_max3A_136 = arith.constant dense<0xFF800000> : vector<32x64xf32>
    %reduce_max3A_137 = vector.multi_reduction <maximumf>, %select_n3A_135, %reduce_max3A_136 [2] : vector<32x64x64xf32> to vector<32x64xf32>
    %broadcast_in_dim3A_138 = vector.shape_cast %reduce_max3A_137 : vector<32x64xf32> to vector<32x64x1xf32>
    %eq3A_139 = vector.broadcast %broadcast_in_dim3A_138 : vector<32x64x1xf32> to vector<32x64x64xf32>
    %eq3A_140 = arith.cmpf oeq, %select_n3A_135, %eq3A_139 : vector<32x64x64xf32>
    %jit3A_141 = arith.constant 9999 : i32
    %broadcast_in_dim3A_142 = vector.broadcast %jit3A_141 : i32 to vector<32x64x64xi32>
    %select_n3A_143 = arith.select %eq3A_140, %iota3A_5, %broadcast_in_dim3A_142 : vector<32x64x64xi1>, vector<32x64x64xi32>
    %reduce_min3A_144 = arith.constant dense<2147483647> : vector<32x64xi32>
    %reduce_min3A_145 = vector.multi_reduction <minsi>, %select_n3A_143, %reduce_min3A_144 [2] : vector<32x64x64xi32> to vector<32x64xi32>
    %broadcast_in_dim3A_146 = vector.shape_cast %reduce_min3A_145 : vector<32x64xi32> to vector<32x64x1xi32>
    %eq3A_147 = vector.broadcast %broadcast_in_dim3A_146 : vector<32x64x1xi32> to vector<32x64x64xi32>
    %eq3A_148 = arith.cmpi eq, %iota3A_5, %eq3A_147 : vector<32x64x64xi32>
    %gt3A_149 = arith.constant 6 : i32
    %gt3A_150 = vector.broadcast %gt3A_149 : i32 to vector<32x64x1xi32>
    %gt3A_151 = arith.cmpi sgt, %min3A_8, %gt3A_150 : vector<32x64x1xi32>
    %and3A_152 = vector.broadcast %gt3A_151 : vector<32x64x1xi1> to vector<32x64x64xi1>
    %and3A_153 = arith.andi %eq3A_148, %and3A_152 : vector<32x64x64xi1>
    %or3A_154 = arith.ori %or3A_132, %and3A_153 : vector<32x64x64xi1>
    %jit3A_155 = arith.constant -1.000000e+30 : f32
    %broadcast_in_dim3A_156 = vector.broadcast %jit3A_155 : f32 to vector<32x64x64xf32>
    %select_n3A_157 = arith.select %and3A_153, %broadcast_in_dim3A_156, %select_n3A_135 : vector<32x64x64xi1>, vector<32x64x64xf32>
    %reduce_max3A_158 = arith.constant dense<0xFF800000> : vector<32x64xf32>
    %reduce_max3A_159 = vector.multi_reduction <maximumf>, %select_n3A_157, %reduce_max3A_158 [2] : vector<32x64x64xf32> to vector<32x64xf32>
    %broadcast_in_dim3A_160 = vector.shape_cast %reduce_max3A_159 : vector<32x64xf32> to vector<32x64x1xf32>
    %eq3A_161 = vector.broadcast %broadcast_in_dim3A_160 : vector<32x64x1xf32> to vector<32x64x64xf32>
    %eq3A_162 = arith.cmpf oeq, %select_n3A_157, %eq3A_161 : vector<32x64x64xf32>
    %jit3A_163 = arith.constant 9999 : i32
    %broadcast_in_dim3A_164 = vector.broadcast %jit3A_163 : i32 to vector<32x64x64xi32>
    %select_n3A_165 = arith.select %eq3A_162, %iota3A_5, %broadcast_in_dim3A_164 : vector<32x64x64xi1>, vector<32x64x64xi32>
    %reduce_min3A_166 = arith.constant dense<2147483647> : vector<32x64xi32>
    %reduce_min3A_167 = vector.multi_reduction <minsi>, %select_n3A_165, %reduce_min3A_166 [2] : vector<32x64x64xi32> to vector<32x64xi32>
    %broadcast_in_dim3A_168 = vector.shape_cast %reduce_min3A_167 : vector<32x64xi32> to vector<32x64x1xi32>
    %eq3A_169 = vector.broadcast %broadcast_in_dim3A_168 : vector<32x64x1xi32> to vector<32x64x64xi32>
    %eq3A_170 = arith.cmpi eq, %iota3A_5, %eq3A_169 : vector<32x64x64xi32>
    %gt3A_171 = arith.constant 7 : i32
    %gt3A_172 = vector.broadcast %gt3A_171 : i32 to vector<32x64x1xi32>
    %gt3A_173 = arith.cmpi sgt, %min3A_8, %gt3A_172 : vector<32x64x1xi32>
    %and3A_174 = vector.broadcast %gt3A_173 : vector<32x64x1xi1> to vector<32x64x64xi1>
    %and3A_175 = arith.andi %eq3A_170, %and3A_174 : vector<32x64x64xi1>
    %or3A_176 = arith.ori %or3A_154, %and3A_175 : vector<32x64x64xi1>
    %jit3A_177 = arith.constant -1.000000e+30 : f32
    %broadcast_in_dim3A_178 = vector.broadcast %jit3A_177 : f32 to vector<32x64x64xf32>
    %select_n3A_179 = arith.select %and3A_175, %broadcast_in_dim3A_178, %select_n3A_157 : vector<32x64x64xi1>, vector<32x64x64xf32>
    %reduce_max3A_180 = arith.constant dense<0xFF800000> : vector<32x64xf32>
    %reduce_max3A_181 = vector.multi_reduction <maximumf>, %select_n3A_179, %reduce_max3A_180 [2] : vector<32x64x64xf32> to vector<32x64xf32>
    %broadcast_in_dim3A_182 = vector.shape_cast %reduce_max3A_181 : vector<32x64xf32> to vector<32x64x1xf32>
    %eq3A_183 = vector.broadcast %broadcast_in_dim3A_182 : vector<32x64x1xf32> to vector<32x64x64xf32>
    %eq3A_184 = arith.cmpf oeq, %select_n3A_179, %eq3A_183 : vector<32x64x64xf32>
    %jit3A_185 = arith.constant 9999 : i32
    %broadcast_in_dim3A_186 = vector.broadcast %jit3A_185 : i32 to vector<32x64x64xi32>
    %select_n3A_187 = arith.select %eq3A_184, %iota3A_5, %broadcast_in_dim3A_186 : vector<32x64x64xi1>, vector<32x64x64xi32>
    %reduce_min3A_188 = arith.constant dense<2147483647> : vector<32x64xi32>
    %reduce_min3A_189 = vector.multi_reduction <minsi>, %select_n3A_187, %reduce_min3A_188 [2] : vector<32x64x64xi32> to vector<32x64xi32>
    %broadcast_in_dim3A_190 = vector.shape_cast %reduce_min3A_189 : vector<32x64xi32> to vector<32x64x1xi32>
    %eq3A_191 = vector.broadcast %broadcast_in_dim3A_190 : vector<32x64x1xi32> to vector<32x64x64xi32>
    %eq3A_192 = arith.cmpi eq, %iota3A_5, %eq3A_191 : vector<32x64x64xi32>
    %gt3A_193 = arith.constant 8 : i32
    %gt3A_194 = vector.broadcast %gt3A_193 : i32 to vector<32x64x1xi32>
    %gt3A_195 = arith.cmpi sgt, %min3A_8, %gt3A_194 : vector<32x64x1xi32>
    %and3A_196 = vector.broadcast %gt3A_195 : vector<32x64x1xi1> to vector<32x64x64xi1>
    %and3A_197 = arith.andi %eq3A_192, %and3A_196 : vector<32x64x64xi1>
    %or3A_198 = arith.ori %or3A_176, %and3A_197 : vector<32x64x64xi1>
    %jit3A_199 = arith.constant -1.000000e+30 : f32
    %broadcast_in_dim3A_200 = vector.broadcast %jit3A_199 : f32 to vector<32x64x64xf32>
    %select_n3A_201 = arith.select %and3A_197, %broadcast_in_dim3A_200, %select_n3A_179 : vector<32x64x64xi1>, vector<32x64x64xf32>
    %reduce_max3A_202 = arith.constant dense<0xFF800000> : vector<32x64xf32>
    %reduce_max3A_203 = vector.multi_reduction <maximumf>, %select_n3A_201, %reduce_max3A_202 [2] : vector<32x64x64xf32> to vector<32x64xf32>
    %broadcast_in_dim3A_204 = vector.shape_cast %reduce_max3A_203 : vector<32x64xf32> to vector<32x64x1xf32>
    %eq3A_205 = vector.broadcast %broadcast_in_dim3A_204 : vector<32x64x1xf32> to vector<32x64x64xf32>
    %eq3A_206 = arith.cmpf oeq, %select_n3A_201, %eq3A_205 : vector<32x64x64xf32>
    %jit3A_207 = arith.constant 9999 : i32
    %broadcast_in_dim3A_208 = vector.broadcast %jit3A_207 : i32 to vector<32x64x64xi32>
    %select_n3A_209 = arith.select %eq3A_206, %iota3A_5, %broadcast_in_dim3A_208 : vector<32x64x64xi1>, vector<32x64x64xi32>
    %reduce_min3A_210 = arith.constant dense<2147483647> : vector<32x64xi32>
    %reduce_min3A_211 = vector.multi_reduction <minsi>, %select_n3A_209, %reduce_min3A_210 [2] : vector<32x64x64xi32> to vector<32x64xi32>
    %broadcast_in_dim3A_212 = vector.shape_cast %reduce_min3A_211 : vector<32x64xi32> to vector<32x64x1xi32>
    %eq3A_213 = vector.broadcast %broadcast_in_dim3A_212 : vector<32x64x1xi32> to vector<32x64x64xi32>
    %eq3A_214 = arith.cmpi eq, %iota3A_5, %eq3A_213 : vector<32x64x64xi32>
    %gt3A_215 = arith.constant 9 : i32
    %gt3A_216 = vector.broadcast %gt3A_215 : i32 to vector<32x64x1xi32>
    %gt3A_217 = arith.cmpi sgt, %min3A_8, %gt3A_216 : vector<32x64x1xi32>
    %and3A_218 = vector.broadcast %gt3A_217 : vector<32x64x1xi1> to vector<32x64x64xi1>
    %and3A_219 = arith.andi %eq3A_214, %and3A_218 : vector<32x64x64xi1>
    %or3A_220 = arith.ori %or3A_198, %and3A_219 : vector<32x64x64xi1>
    %jit3A_221 = arith.constant 0.000000e+00 : f32
    %jit3A_222 = arith.constant -1.000000e+30 : f32
    %broadcast_in_dim3A_223 = vector.broadcast %jit3A_221 : f32 to vector<32x64x64xf32>
    %broadcast_in_dim3A_224 = vector.broadcast %jit3A_222 : f32 to vector<32x64x64xf32>
    %select_n3A_225 = arith.select %or3A_220, %broadcast_in_dim3A_223, %broadcast_in_dim3A_224 : vector<32x64x64xi1>, vector<32x64x64xf32>
    %transpose3A = tpu.transpose %select_n3A_225, [1, 0, 2] : vector<32x64x64xf32> -> vector<64x32x64xf32>
    %swap3A = arith.constant 0 : index
    %swap3A_226 = arith.constant 0 : index
    %swap3A_227 = arith.constant 0 : index
    %swap3A_228 = vector.load %arg2[%swap3A, %swap3A_226, %swap3A_227] : memref<64x32x64xf32, #tpu.memory_space<vmem>>, vector<64x32x64xf32>
    tpu.vector_store %arg2[%swap3A, %swap3A_226, %swap3A_227], %transpose3A {strides = array<i32>} : memref<64x32x64xf32, #tpu.memory_space<vmem>>, vector<64x32x64xf32>,
    return
  }
  func.func @transform_0(%arg0: i32) -> (i32, i32, i32) {
    %c0_i32 = arith.constant 0 : i32
    %c0_i32_0 = arith.constant 0 : i32
    %c0_i32_1 = arith.constant 0 : i32
    %c0_i32_2 = arith.constant 0 : i32
    return %c0_i32, %c0_i32_0, %c0_i32_1 : i32, i32, i32
  }
  func.func @transform_1(%arg0: i32) -> (i32, i32, i32) {
    %c0_i32 = arith.constant 0 : i32
    %c0_i32_0 = arith.constant 0 : i32
    %c0_i32_1 = arith.constant 0 : i32
    %c0_i32_2 = arith.constant 0 : i32
    return %c0_i32, %c0_i32_0, %c0_i32_1 : i32, i32, i32
  }
}

module attributes {stable_mosaic.version = 14 : i64} {
  func.func @_a1_body(%arg0: i32, %arg1: memref<200x16x128xf32, #tpu.memory_space<vmem>>, %arg2: memref<200x128xf32, #tpu.memory_space<vmem>>, %arg3: memref<128x128xf32, #tpu.memory_space<vmem>>, %arg4: memref<1x128xf32, #tpu.memory_space<vmem>>, %arg5: memref<200x256xf32, #tpu.memory_space<vmem>>) attributes {dimension_semantics = [#tpu.dimension_semantics<arbitrary>], iteration_bounds = array<i64: 5>, scalar_prefetch = 0 : i64, scratch_operands = 0 : i64, tpu.core_type = #tpu.core_type<tc>, window_params = [{transform_indices = @transform_0, window_bounds = array<i64: 200, 16, 128>}, {transform_indices = @transform_1, window_bounds = array<i64: 200, 128>}, {pipeline_mode = #tpu.pipeline_mode<synchronous>, transform_indices = @transform_2, window_bounds = array<i64: 128, 128>}, {pipeline_mode = #tpu.pipeline_mode<synchronous>, transform_indices = @transform_3, window_bounds = array<i64: 1, 128>}, {transform_indices = @transform_4, window_bounds = array<i64: 200, 256>}]} {
    %get3A = arith.constant 0 : index
    %get3A_0 = arith.constant 0 : index
    %get3A_1 = arith.constant 0 : index
    %get3A_2 = vector.load %arg1[%get3A, %get3A_0, %get3A_1] : memref<200x16x128xf32, #tpu.memory_space<vmem>>, vector<200x16x128xf32>
    %reduce_sum3A = arith.constant dense<0.000000e+00> : vector<200x128xf32>
    %reduce_sum3A_3 = vector.multi_reduction <add>, %get3A_2, %reduce_sum3A [1] : vector<200x16x128xf32> to vector<200x128xf32>
    %mul3A = arith.constant 6.250000e-02 : f32
    %mul3A_4 = vector.broadcast %mul3A : f32 to vector<200x128xf32>
    %mul3A_5 = arith.mulf %reduce_sum3A_3, %mul3A_4 : vector<200x128xf32>
    %get3A_6 = arith.constant 0 : index
    %get3A_7 = arith.constant 0 : index
    %get3A_8 = vector.load %arg2[%get3A_6, %get3A_7] : memref<200x128xf32, #tpu.memory_space<vmem>>, vector<200x128xf32>
    %add3A = arith.addf %mul3A_5, %get3A_8 : vector<200x128xf32>
    %get3A_9 = arith.constant 0 : index
    %get3A_10 = arith.constant 0 : index
    %get3A_11 = vector.load %arg3[%get3A_9, %get3A_10] : memref<128x128xf32, #tpu.memory_space<vmem>>, vector<128x128xf32>
    %dot_general3A = arith.constant dense<0.000000e+00> : vector<200x128xf32>
    %dot_general3A_12 = tpu.matmul %add3A, %get3A_11, %dot_general3A {dimension_numbers = #tpu.dot_dimension_numbers<[1], [0], [0], [1], [0, 0, 1, 1], [], []>, transpose_lhs_hint = false} : vector<200x128xf32>, vector<128x128xf32>, vector<200x128xf32> -> vector<200x128xf32>
    %get3A_13 = arith.constant 0 : index
    %get3A_14 = arith.constant 0 : index
    %get3A_15 = vector.load %arg4[%get3A_13, %get3A_14] : memref<1x128xf32, #tpu.memory_space<vmem>>, vector<1x128xf32>
    %add3A_16 = vector.broadcast %get3A_15 : vector<1x128xf32> to vector<200x128xf32>
    %add3A_17 = arith.addf %dot_general3A_12, %add3A_16 : vector<200x128xf32>
    %tanh3A = math.tanh %add3A_17 : vector<200x128xf32>
    %concatenate3A = tpu.concatenate %get3A_8, %tanh3A in 1 : vector<200x128xf32>, vector<200x128xf32> -> vector<200x256xf32>
    %swap3A = arith.constant 0 : index
    %swap3A_18 = arith.constant 0 : index
    %swap3A_19 = vector.load %arg5[%swap3A, %swap3A_18] : memref<200x256xf32, #tpu.memory_space<vmem>>, vector<200x256xf32>
    tpu.vector_store %arg5[%swap3A, %swap3A_18], %concatenate3A {strides = array<i32>} : memref<200x256xf32, #tpu.memory_space<vmem>>, vector<200x256xf32>,
    return
  }
  func.func @transform_0(%arg0: i32) -> (i32, i32, i32) {
    %c0_i32 = arith.constant 0 : i32
    %c0_i32_0 = arith.constant 0 : i32
    %c0_i32_1 = arith.constant 0 : i32
    return %arg0, %c0_i32, %c0_i32_0 : i32, i32, i32
  }
  func.func @transform_1(%arg0: i32) -> (i32, i32) {
    %c0_i32 = arith.constant 0 : i32
    %c0_i32_0 = arith.constant 0 : i32
    return %arg0, %c0_i32 : i32, i32
  }
  func.func @transform_2(%arg0: i32) -> (i32, i32) {
    %c0_i32 = arith.constant 0 : i32
    %c0_i32_0 = arith.constant 0 : i32
    %c0_i32_1 = arith.constant 0 : i32
    return %c0_i32, %c0_i32_0 : i32, i32
  }
  func.func @transform_3(%arg0: i32) -> (i32, i32) {
    %c0_i32 = arith.constant 0 : i32
    %c0_i32_0 = arith.constant 0 : i32
    %c0_i32_1 = arith.constant 0 : i32
    return %c0_i32, %c0_i32_0 : i32, i32
  }
  func.func @transform_4(%arg0: i32) -> (i32, i32) {
    %c0_i32 = arith.constant 0 : i32
    %c0_i32_0 = arith.constant 0 : i32
    return %arg0, %c0_i32 : i32, i32
  }
}

module attributes {stable_mosaic.version = 14 : i64} {
  func.func @_a2_body(%arg0: i32, %arg1: memref<512x128xi32, #tpu.memory_space<vmem>>, %arg2: memref<512x128xi32, #tpu.memory_space<vmem>>, %arg3: memref<512x128xf32, #tpu.memory_space<vmem>>, %arg4: memref<512x128xf32, #tpu.memory_space<vmem>>, %arg5: memref<512x1xi32, #tpu.memory_space<vmem>>, %arg6: memref<512x1xi32, #tpu.memory_space<vmem>>, %arg7: memref<1000x256xf32, #tpu.memory_space<vmem>>, %arg8: memref<128x128xf32, #tpu.memory_space<vmem>>, %arg9: memref<128x128xf32, #tpu.memory_space<vmem>>, %arg10: memref<1x128xf32, #tpu.memory_space<vmem>>, %arg11: memref<1x128xf32, #tpu.memory_space<vmem>>, %arg12: memref<128x384xf32, #tpu.memory_space<vmem>>, %arg13: memref<128x384xf32, #tpu.memory_space<vmem>>, %arg14: memref<1x384xf32, #tpu.memory_space<vmem>>, %arg15: memref<2x128xf32, #tpu.memory_space<vmem>>, %arg16: memref<128x128xf32, #tpu.memory_space<vmem>>, %arg17: memref<1x256xf32, #tpu.memory_space<vmem>>, %arg18: memref<512x384xf32, #tpu.memory_space<vmem>>, %arg19: memref<512x8x128xf32, #tpu.memory_space<vmem>>) attributes {dimension_semantics = [#tpu.dimension_semantics<arbitrary>], iteration_bounds = array<i64: 4>, scalar_prefetch = 0 : i64, scratch_operands = 0 : i64, tpu.core_type = #tpu.core_type<tc>, window_params = [{transform_indices = @transform_0, window_bounds = array<i64: 512, 128>}, {transform_indices = @transform_1, window_bounds = array<i64: 512, 128>}, {transform_indices = @transform_2, window_bounds = array<i64: 512, 128>}, {transform_indices = @transform_3, window_bounds = array<i64: 512, 128>}, {transform_indices = @transform_4, window_bounds = array<i64: 512, 1>}, {transform_indices = @transform_5, window_bounds = array<i64: 512, 1>}, {pipeline_mode = #tpu.pipeline_mode<synchronous>, transform_indices = @transform_6, window_bounds = array<i64: 1000, 256>}, {pipeline_mode = #tpu.pipeline_mode<synchronous>, transform_indices = @transform_7, window_bounds = array<i64: 128, 128>}, {pipeline_mode = #tpu.pipeline_mode<synchronous>, transform_indices = @transform_8, window_bounds = array<i64: 128, 128>}, {pipeline_mode = #tpu.pipeline_mode<synchronous>, transform_indices = @transform_9, window_bounds = array<i64: 1, 128>}, {pipeline_mode = #tpu.pipeline_mode<synchronous>, transform_indices = @transform_10, window_bounds = array<i64: 1, 128>}, {pipeline_mode = #tpu.pipeline_mode<synchronous>, transform_indices = @transform_11, window_bounds = array<i64: 128, 384>}, {pipeline_mode = #tpu.pipeline_mode<synchronous>, transform_indices = @transform_12, window_bounds = array<i64: 128, 384>}, {pipeline_mode = #tpu.pipeline_mode<synchronous>, transform_indices = @transform_13, window_bounds = array<i64: 1, 384>}, {pipeline_mode = #tpu.pipeline_mode<synchronous>, transform_indices = @transform_14, window_bounds = array<i64: 2, 128>}, {pipeline_mode = #tpu.pipeline_mode<synchronous>, transform_indices = @transform_15, window_bounds = array<i64: 128, 128>}, {pipeline_mode = #tpu.pipeline_mode<synchronous>, transform_indices = @transform_16, window_bounds = array<i64: 1, 256>}, {transform_indices = @transform_17, window_bounds = array<i64: 512, 384>}, {transform_indices = @transform_18, window_bounds = array<i64: 512, 8, 128>}]} {
    %get3A = arith.constant 0 : index
    %get3A_0 = arith.constant 0 : index
    %get3A_1 = vector.load %arg1[%get3A, %get3A_0] : memref<512x128xi32, #tpu.memory_space<vmem>>, vector<512x128xi32>
    %get3A_2 = arith.constant 0 : index
    %get3A_3 = arith.constant 0 : index
    %get3A_4 = vector.load %arg2[%get3A_2, %get3A_3] : memref<512x128xi32, #tpu.memory_space<vmem>>, vector<512x128xi32>
    %iota3A = tpu.iota {dimensions = array<i32: 1>} : vector<512x1000xi32>
    %broadcast_in_dim3A = arith.constant 0.000000e+00 : f32
    %broadcast_in_dim3A_5 = vector.broadcast %broadcast_in_dim3A : f32 to vector<512x1000xf32>
    %slice3A = vector.extract_strided_slice %get3A_1 {offsets = [0, 0], sizes = [512, 1], strides = [1, 1]} : vector<512x128xi32> to vector<512x1xi32>
    %eq3A = vector.broadcast %slice3A : vector<512x1xi32> to vector<512x1000xi32>
    %eq3A_6 = arith.cmpi eq, %eq3A, %iota3A : vector<512x1000xi32>
    %convert_element_type3A = arith.extui %eq3A_6 : vector<512x1000xi1> to vector<512x1000xi32>
    %convert_element_type3A_7 = arith.sitofp %convert_element_type3A : vector<512x1000xi32> to vector<512x1000xf32>
    %add3A = arith.addf %broadcast_in_dim3A_5, %convert_element_type3A_7 : vector<512x1000xf32>
    %slice3A_8 = vector.extract_strided_slice %get3A_1 {offsets = [0, 1], sizes = [512, 1], strides = [1, 1]} : vector<512x128xi32> to vector<512x1xi32>
    %eq3A_9 = vector.broadcast %slice3A_8 : vector<512x1xi32> to vector<512x1000xi32>
    %eq3A_10 = arith.cmpi eq, %eq3A_9, %iota3A : vector<512x1000xi32>
    %convert_element_type3A_11 = arith.extui %eq3A_10 : vector<512x1000xi1> to vector<512x1000xi32>
    %convert_element_type3A_12 = arith.sitofp %convert_element_type3A_11 : vector<512x1000xi32> to vector<512x1000xf32>
    %add3A_13 = arith.addf %add3A, %convert_element_type3A_12 : vector<512x1000xf32>
    %slice3A_14 = vector.extract_strided_slice %get3A_1 {offsets = [0, 2], sizes = [512, 1], strides = [1, 1]} : vector<512x128xi32> to vector<512x1xi32>
    %eq3A_15 = vector.broadcast %slice3A_14 : vector<512x1xi32> to vector<512x1000xi32>
    %eq3A_16 = arith.cmpi eq, %eq3A_15, %iota3A : vector<512x1000xi32>
    %convert_element_type3A_17 = arith.extui %eq3A_16 : vector<512x1000xi1> to vector<512x1000xi32>
    %convert_element_type3A_18 = arith.sitofp %convert_element_type3A_17 : vector<512x1000xi32> to vector<512x1000xf32>
    %add3A_19 = arith.addf %add3A_13, %convert_element_type3A_18 : vector<512x1000xf32>
    %slice3A_20 = vector.extract_strided_slice %get3A_1 {offsets = [0, 3], sizes = [512, 1], strides = [1, 1]} : vector<512x128xi32> to vector<512x1xi32>
    %eq3A_21 = vector.broadcast %slice3A_20 : vector<512x1xi32> to vector<512x1000xi32>
    %eq3A_22 = arith.cmpi eq, %eq3A_21, %iota3A : vector<512x1000xi32>
    %convert_element_type3A_23 = arith.extui %eq3A_22 : vector<512x1000xi1> to vector<512x1000xi32>
    %convert_element_type3A_24 = arith.sitofp %convert_element_type3A_23 : vector<512x1000xi32> to vector<512x1000xf32>
    %add3A_25 = arith.addf %add3A_19, %convert_element_type3A_24 : vector<512x1000xf32>
    %slice3A_26 = vector.extract_strided_slice %get3A_1 {offsets = [0, 4], sizes = [512, 1], strides = [1, 1]} : vector<512x128xi32> to vector<512x1xi32>
    %eq3A_27 = vector.broadcast %slice3A_26 : vector<512x1xi32> to vector<512x1000xi32>
    %eq3A_28 = arith.cmpi eq, %eq3A_27, %iota3A : vector<512x1000xi32>
    %convert_element_type3A_29 = arith.extui %eq3A_28 : vector<512x1000xi1> to vector<512x1000xi32>
    %convert_element_type3A_30 = arith.sitofp %convert_element_type3A_29 : vector<512x1000xi32> to vector<512x1000xf32>
    %add3A_31 = arith.addf %add3A_25, %convert_element_type3A_30 : vector<512x1000xf32>
    %slice3A_32 = vector.extract_strided_slice %get3A_1 {offsets = [0, 5], sizes = [512, 1], strides = [1, 1]} : vector<512x128xi32> to vector<512x1xi32>
    %eq3A_33 = vector.broadcast %slice3A_32 : vector<512x1xi32> to vector<512x1000xi32>
    %eq3A_34 = arith.cmpi eq, %eq3A_33, %iota3A : vector<512x1000xi32>
    %convert_element_type3A_35 = arith.extui %eq3A_34 : vector<512x1000xi1> to vector<512x1000xi32>
    %convert_element_type3A_36 = arith.sitofp %convert_element_type3A_35 : vector<512x1000xi32> to vector<512x1000xf32>
    %add3A_37 = arith.addf %add3A_31, %convert_element_type3A_36 : vector<512x1000xf32>
    %slice3A_38 = vector.extract_strided_slice %get3A_1 {offsets = [0, 6], sizes = [512, 1], strides = [1, 1]} : vector<512x128xi32> to vector<512x1xi32>
    %eq3A_39 = vector.broadcast %slice3A_38 : vector<512x1xi32> to vector<512x1000xi32>
    %eq3A_40 = arith.cmpi eq, %eq3A_39, %iota3A : vector<512x1000xi32>
    %convert_element_type3A_41 = arith.extui %eq3A_40 : vector<512x1000xi1> to vector<512x1000xi32>
    %convert_element_type3A_42 = arith.sitofp %convert_element_type3A_41 : vector<512x1000xi32> to vector<512x1000xf32>
    %add3A_43 = arith.addf %add3A_37, %convert_element_type3A_42 : vector<512x1000xf32>
    %slice3A_44 = vector.extract_strided_slice %get3A_1 {offsets = [0, 7], sizes = [512, 1], strides = [1, 1]} : vector<512x128xi32> to vector<512x1xi32>
    %eq3A_45 = vector.broadcast %slice3A_44 : vector<512x1xi32> to vector<512x1000xi32>
    %eq3A_46 = arith.cmpi eq, %eq3A_45, %iota3A : vector<512x1000xi32>
    %convert_element_type3A_47 = arith.extui %eq3A_46 : vector<512x1000xi1> to vector<512x1000xi32>
    %convert_element_type3A_48 = arith.sitofp %convert_element_type3A_47 : vector<512x1000xi32> to vector<512x1000xf32>
    %add3A_49 = arith.addf %add3A_43, %convert_element_type3A_48 : vector<512x1000xf32>
    %slice3A_50 = vector.extract_strided_slice %get3A_1 {offsets = [0, 8], sizes = [512, 1], strides = [1, 1]} : vector<512x128xi32> to vector<512x1xi32>
    %eq3A_51 = vector.broadcast %slice3A_50 : vector<512x1xi32> to vector<512x1000xi32>
    %eq3A_52 = arith.cmpi eq, %eq3A_51, %iota3A : vector<512x1000xi32>
    %convert_element_type3A_53 = arith.extui %eq3A_52 : vector<512x1000xi1> to vector<512x1000xi32>
    %convert_element_type3A_54 = arith.sitofp %convert_element_type3A_53 : vector<512x1000xi32> to vector<512x1000xf32>
    %add3A_55 = arith.addf %add3A_49, %convert_element_type3A_54 : vector<512x1000xf32>
    %slice3A_56 = vector.extract_strided_slice %get3A_1 {offsets = [0, 9], sizes = [512, 1], strides = [1, 1]} : vector<512x128xi32> to vector<512x1xi32>
    %eq3A_57 = vector.broadcast %slice3A_56 : vector<512x1xi32> to vector<512x1000xi32>
    %eq3A_58 = arith.cmpi eq, %eq3A_57, %iota3A : vector<512x1000xi32>
    %convert_element_type3A_59 = arith.extui %eq3A_58 : vector<512x1000xi1> to vector<512x1000xi32>
    %convert_element_type3A_60 = arith.sitofp %convert_element_type3A_59 : vector<512x1000xi32> to vector<512x1000xf32>
    %add3A_61 = arith.addf %add3A_55, %convert_element_type3A_60 : vector<512x1000xf32>
    %slice3A_62 = vector.extract_strided_slice %get3A_1 {offsets = [0, 10], sizes = [512, 1], strides = [1, 1]} : vector<512x128xi32> to vector<512x1xi32>
    %eq3A_63 = vector.broadcast %slice3A_62 : vector<512x1xi32> to vector<512x1000xi32>
    %eq3A_64 = arith.cmpi eq, %eq3A_63, %iota3A : vector<512x1000xi32>
    %convert_element_type3A_65 = arith.extui %eq3A_64 : vector<512x1000xi1> to vector<512x1000xi32>
    %convert_element_type3A_66 = arith.sitofp %convert_element_type3A_65 : vector<512x1000xi32> to vector<512x1000xf32>
    %add3A_67 = arith.addf %add3A_61, %convert_element_type3A_66 : vector<512x1000xf32>
    %slice3A_68 = vector.extract_strided_slice %get3A_1 {offsets = [0, 11], sizes = [512, 1], strides = [1, 1]} : vector<512x128xi32> to vector<512x1xi32>
    %eq3A_69 = vector.broadcast %slice3A_68 : vector<512x1xi32> to vector<512x1000xi32>
    %eq3A_70 = arith.cmpi eq, %eq3A_69, %iota3A : vector<512x1000xi32>
    %convert_element_type3A_71 = arith.extui %eq3A_70 : vector<512x1000xi1> to vector<512x1000xi32>
    %convert_element_type3A_72 = arith.sitofp %convert_element_type3A_71 : vector<512x1000xi32> to vector<512x1000xf32>
    %add3A_73 = arith.addf %add3A_67, %convert_element_type3A_72 : vector<512x1000xf32>
    %slice3A_74 = vector.extract_strided_slice %get3A_1 {offsets = [0, 12], sizes = [512, 1], strides = [1, 1]} : vector<512x128xi32> to vector<512x1xi32>
    %eq3A_75 = vector.broadcast %slice3A_74 : vector<512x1xi32> to vector<512x1000xi32>
    %eq3A_76 = arith.cmpi eq, %eq3A_75, %iota3A : vector<512x1000xi32>
    %convert_element_type3A_77 = arith.extui %eq3A_76 : vector<512x1000xi1> to vector<512x1000xi32>
    %convert_element_type3A_78 = arith.sitofp %convert_element_type3A_77 : vector<512x1000xi32> to vector<512x1000xf32>
    %add3A_79 = arith.addf %add3A_73, %convert_element_type3A_78 : vector<512x1000xf32>
    %slice3A_80 = vector.extract_strided_slice %get3A_1 {offsets = [0, 13], sizes = [512, 1], strides = [1, 1]} : vector<512x128xi32> to vector<512x1xi32>
    %eq3A_81 = vector.broadcast %slice3A_80 : vector<512x1xi32> to vector<512x1000xi32>
    %eq3A_82 = arith.cmpi eq, %eq3A_81, %iota3A : vector<512x1000xi32>
    %convert_element_type3A_83 = arith.extui %eq3A_82 : vector<512x1000xi1> to vector<512x1000xi32>
    %convert_element_type3A_84 = arith.sitofp %convert_element_type3A_83 : vector<512x1000xi32> to vector<512x1000xf32>
    %add3A_85 = arith.addf %add3A_79, %convert_element_type3A_84 : vector<512x1000xf32>
    %slice3A_86 = vector.extract_strided_slice %get3A_1 {offsets = [0, 14], sizes = [512, 1], strides = [1, 1]} : vector<512x128xi32> to vector<512x1xi32>
    %eq3A_87 = vector.broadcast %slice3A_86 : vector<512x1xi32> to vector<512x1000xi32>
    %eq3A_88 = arith.cmpi eq, %eq3A_87, %iota3A : vector<512x1000xi32>
    %convert_element_type3A_89 = arith.extui %eq3A_88 : vector<512x1000xi1> to vector<512x1000xi32>
    %convert_element_type3A_90 = arith.sitofp %convert_element_type3A_89 : vector<512x1000xi32> to vector<512x1000xf32>
    %add3A_91 = arith.addf %add3A_85, %convert_element_type3A_90 : vector<512x1000xf32>
    %slice3A_92 = vector.extract_strided_slice %get3A_1 {offsets = [0, 15], sizes = [512, 1], strides = [1, 1]} : vector<512x128xi32> to vector<512x1xi32>
    %eq3A_93 = vector.broadcast %slice3A_92 : vector<512x1xi32> to vector<512x1000xi32>
    %eq3A_94 = arith.cmpi eq, %eq3A_93, %iota3A : vector<512x1000xi32>
    %convert_element_type3A_95 = arith.extui %eq3A_94 : vector<512x1000xi1> to vector<512x1000xi32>
    %convert_element_type3A_96 = arith.sitofp %convert_element_type3A_95 : vector<512x1000xi32> to vector<512x1000xf32>
    %add3A_97 = arith.addf %add3A_91, %convert_element_type3A_96 : vector<512x1000xf32>
    %get3A_98 = arith.constant 0 : index
    %get3A_99 = arith.constant 0 : index
    %get3A_100 = vector.load %arg7[%get3A_98, %get3A_99] : memref<1000x256xf32, #tpu.memory_space<vmem>>, vector<1000x256xf32>
    %dot_general3A = arith.constant dense<0.000000e+00> : vector<512x256xf32>
    %dot_general3A_101 = tpu.matmul %add3A_97, %get3A_100, %dot_general3A {dimension_numbers = #tpu.dot_dimension_numbers<[1], [0], [0], [1], [0, 0, 1, 1], [], []>, transpose_lhs_hint = false} : vector<512x1000xf32>, vector<1000x256xf32>, vector<512x256xf32> -> vector<512x256xf32>
    %mul3A = arith.constant 6.250000e-02 : f32
    %mul3A_102 = vector.broadcast %mul3A : f32 to vector<512x256xf32>
    %mul3A_103 = arith.mulf %dot_general3A_101, %mul3A_102 : vector<512x256xf32>
    %slice3A_104 = vector.extract_strided_slice %mul3A_103 {offsets = [0, 0], sizes = [512, 128], strides = [1, 1]} : vector<512x256xf32> to vector<512x128xf32>
    %slice3A_105 = vector.extract_strided_slice %mul3A_103 {offsets = [0, 128], sizes = [512, 128], strides = [1, 1]} : vector<512x256xf32> to vector<512x128xf32>
    %get3A_106 = arith.constant 0 : index
    %get3A_107 = arith.constant 0 : index
    %get3A_108 = vector.load %arg3[%get3A_106, %get3A_107] : memref<512x128xf32, #tpu.memory_space<vmem>>, vector<512x128xf32>
    %add3A_109 = arith.addf %slice3A_104, %get3A_108 : vector<512x128xf32>
    %get3A_110 = arith.constant 0 : index
    %get3A_111 = arith.constant 0 : index
    %get3A_112 = vector.load %arg8[%get3A_110, %get3A_111] : memref<128x128xf32, #tpu.memory_space<vmem>>, vector<128x128xf32>
    %dot_general3A_113 = arith.constant dense<0.000000e+00> : vector<512x128xf32>
    %dot_general3A_114 = tpu.matmul %add3A_109, %get3A_112, %dot_general3A_113 {dimension_numbers = #tpu.dot_dimension_numbers<[1], [0], [0], [1], [0, 0, 1, 1], [], []>, transpose_lhs_hint = false} : vector<512x128xf32>, vector<128x128xf32>, vector<512x128xf32> -> vector<512x128xf32>
    %get3A_115 = arith.constant 0 : index
    %get3A_116 = arith.constant 0 : index
    %get3A_117 = vector.load %arg10[%get3A_115, %get3A_116] : memref<1x128xf32, #tpu.memory_space<vmem>>, vector<1x128xf32>
    %add3A_118 = vector.broadcast %get3A_117 : vector<1x128xf32> to vector<512x128xf32>
    %add3A_119 = arith.addf %dot_general3A_114, %add3A_118 : vector<512x128xf32>
    %tanh3A = math.tanh %add3A_119 : vector<512x128xf32>
    %add3A_120 = arith.addf %slice3A_105, %tanh3A : vector<512x128xf32>
    %get3A_121 = arith.constant 0 : index
    %get3A_122 = arith.constant 0 : index
    %get3A_123 = vector.load %arg8[%get3A_121, %get3A_122] : memref<128x128xf32, #tpu.memory_space<vmem>>, vector<128x128xf32>
    %dot_general3A_124 = arith.constant dense<0.000000e+00> : vector<512x128xf32>
    %dot_general3A_125 = tpu.matmul %add3A_120, %get3A_123, %dot_general3A_124 {dimension_numbers = #tpu.dot_dimension_numbers<[1], [0], [0], [1], [0, 0, 1, 1], [], []>, transpose_lhs_hint = false} : vector<512x128xf32>, vector<128x128xf32>, vector<512x128xf32> -> vector<512x128xf32>
    %get3A_126 = arith.constant 0 : index
    %get3A_127 = arith.constant 0 : index
    %get3A_128 = vector.load %arg10[%get3A_126, %get3A_127] : memref<1x128xf32, #tpu.memory_space<vmem>>, vector<1x128xf32>
    %add3A_129 = vector.broadcast %get3A_128 : vector<1x128xf32> to vector<512x128xf32>
    %add3A_130 = arith.addf %dot_general3A_125, %add3A_129 : vector<512x128xf32>
    %tanh3A_131 = math.tanh %add3A_130 : vector<512x128xf32>
    %get3A_132 = arith.constant 0 : index
    %get3A_133 = arith.constant 0 : index
    %get3A_134 = vector.load %arg9[%get3A_132, %get3A_133] : memref<128x128xf32, #tpu.memory_space<vmem>>, vector<128x128xf32>
    %dot_general3A_135 = arith.constant dense<0.000000e+00> : vector<512x128xf32>
    %dot_general3A_136 = tpu.matmul %tanh3A_131, %get3A_134, %dot_general3A_135 {dimension_numbers = #tpu.dot_dimension_numbers<[1], [0], [0], [1], [0, 0, 1, 1], [], []>, transpose_lhs_hint = false} : vector<512x128xf32>, vector<128x128xf32>, vector<512x128xf32> -> vector<512x128xf32>
    %get3A_137 = arith.constant 0 : index
    %get3A_138 = arith.constant 0 : index
    %get3A_139 = vector.load %arg11[%get3A_137, %get3A_138] : memref<1x128xf32, #tpu.memory_space<vmem>>, vector<1x128xf32>
    %add3A_140 = vector.broadcast %get3A_139 : vector<1x128xf32> to vector<512x128xf32>
    %add3A_141 = arith.addf %dot_general3A_136, %add3A_140 : vector<512x128xf32>
    %tanh3A_142 = math.tanh %add3A_141 : vector<512x128xf32>
    %get3A_143 = arith.constant 0 : index
    %get3A_144 = arith.constant 0 : index
    %get3A_145 = vector.load %arg5[%get3A_143, %get3A_144] : memref<512x1xi32, #tpu.memory_space<vmem>>, vector<512x1xi32>
    %convert_element_type3A_146 = arith.sitofp %get3A_145 : vector<512x1xi32> to vector<512x1xf32>
    %mul3A_147 = vector.broadcast %convert_element_type3A_146 : vector<512x1xf32> to vector<512x128xf32>
    %mul3A_148 = arith.mulf %mul3A_147, %tanh3A_142 : vector<512x128xf32>
    %sub3A = arith.constant 1.000000e+00 : f32
    %sub3A_149 = vector.broadcast %sub3A : f32 to vector<512x1xf32>
    %sub3A_150 = arith.subf %sub3A_149, %convert_element_type3A_146 : vector<512x1xf32>
    %mul3A_151 = vector.broadcast %sub3A_150 : vector<512x1xf32> to vector<512x128xf32>
    %mul3A_152 = arith.mulf %mul3A_151, %get3A_108 : vector<512x128xf32>
    %add3A_153 = arith.addf %mul3A_148, %mul3A_152 : vector<512x128xf32>
    %get3A_154 = arith.constant 0 : index
    %get3A_155 = arith.constant 0 : index
    %get3A_156 = vector.load %arg6[%get3A_154, %get3A_155] : memref<512x1xi32, #tpu.memory_space<vmem>>, vector<512x1xi32>
    %convert_element_type3A_157 = arith.sitofp %get3A_156 : vector<512x1xi32> to vector<512x1xf32>
    %get3A_158 = arith.constant 0 : index
    %get3A_159 = arith.constant 0 : index
    %get3A_160 = vector.load %arg15[%get3A_158, %get3A_159] : memref<2x128xf32, #tpu.memory_space<vmem>>, vector<2x128xf32>
    %slice3A_161 = vector.extract_strided_slice %get3A_160 {offsets = [1, 0], sizes = [1, 128], strides = [1, 1]} : vector<2x128xf32> to vector<1x128xf32>
    %mul3A_162 = vector.broadcast %convert_element_type3A_157 : vector<512x1xf32> to vector<512x128xf32>
    %mul3A_163 = vector.broadcast %slice3A_161 : vector<1x128xf32> to vector<512x128xf32>
    %mul3A_164 = arith.mulf %mul3A_162, %mul3A_163 : vector<512x128xf32>
    %sub3A_165 = arith.constant 1.000000e+00 : f32
    %sub3A_166 = vector.broadcast %sub3A_165 : f32 to vector<512x1xf32>
    %sub3A_167 = arith.subf %sub3A_166, %convert_element_type3A_157 : vector<512x1xf32>
    %slice3A_168 = vector.extract_strided_slice %get3A_160 {offsets = [0, 0], sizes = [1, 128], strides = [1, 1]} : vector<2x128xf32> to vector<1x128xf32>
    %mul3A_169 = vector.broadcast %sub3A_167 : vector<512x1xf32> to vector<512x128xf32>
    %mul3A_170 = vector.broadcast %slice3A_168 : vector<1x128xf32> to vector<512x128xf32>
    %mul3A_171 = arith.mulf %mul3A_169, %mul3A_170 : vector<512x128xf32>
    %add3A_172 = arith.addf %mul3A_164, %mul3A_171 : vector<512x128xf32>
    %get3A_173 = arith.constant 0 : index
    %get3A_174 = arith.constant 0 : index
    %get3A_175 = vector.load %arg12[%get3A_173, %get3A_174] : memref<128x384xf32, #tpu.memory_space<vmem>>, vector<128x384xf32>
    %dot_general3A_176 = arith.constant dense<0.000000e+00> : vector<512x384xf32>
    %dot_general3A_177 = tpu.matmul %add3A_153, %get3A_175, %dot_general3A_176 {dimension_numbers = #tpu.dot_dimension_numbers<[1], [0], [0], [1], [0, 0, 1, 1], [], []>, transpose_lhs_hint = false} : vector<512x128xf32>, vector<128x384xf32>, vector<512x384xf32> -> vector<512x384xf32>
    %get3A_178 = arith.constant 0 : index
    %get3A_179 = arith.constant 0 : index
    %get3A_180 = vector.load %arg13[%get3A_178, %get3A_179] : memref<128x384xf32, #tpu.memory_space<vmem>>, vector<128x384xf32>
    %dot_general3A_181 = arith.constant dense<0.000000e+00> : vector<512x384xf32>
    %dot_general3A_182 = tpu.matmul %add3A_172, %get3A_180, %dot_general3A_181 {dimension_numbers = #tpu.dot_dimension_numbers<[1], [0], [0], [1], [0, 0, 1, 1], [], []>, transpose_lhs_hint = false} : vector<512x128xf32>, vector<128x384xf32>, vector<512x384xf32> -> vector<512x384xf32>
    %add3A_183 = arith.addf %dot_general3A_177, %dot_general3A_182 : vector<512x384xf32>
    %get3A_184 = arith.constant 0 : index
    %get3A_185 = arith.constant 0 : index
    %get3A_186 = vector.load %arg14[%get3A_184, %get3A_185] : memref<1x384xf32, #tpu.memory_space<vmem>>, vector<1x384xf32>
    %add3A_187 = vector.broadcast %get3A_186 : vector<1x384xf32> to vector<512x384xf32>
    %add3A_188 = arith.addf %add3A_183, %add3A_187 : vector<512x384xf32>
    %swap3A = arith.constant 0 : index
    %swap3A_189 = arith.constant 0 : index
    %swap3A_190 = vector.load %arg18[%swap3A, %swap3A_189] : memref<512x384xf32, #tpu.memory_space<vmem>>, vector<512x384xf32>
    tpu.vector_store %arg18[%swap3A, %swap3A_189], %add3A_188 {strides = array<i32>} : memref<512x384xf32, #tpu.memory_space<vmem>>, vector<512x384xf32>,
    %get3A_191 = arith.constant 0 : index
    %get3A_192 = arith.constant 0 : index
    %get3A_193 = vector.load %arg4[%get3A_191, %get3A_192] : memref<512x128xf32, #tpu.memory_space<vmem>>, vector<512x128xf32>
    %swap3A_194 = arith.constant 0 : index
    %swap3A_195 = arith.constant 0 : index
    %swap3A_196 = arith.constant 0 : index
    %swap3A_197 = vector.load %arg19[%swap3A_194, %swap3A_195, %swap3A_196] : memref<512x8x128xf32, #tpu.memory_space<vmem>>, vector<512x1x128xf32>
    %swap3A_198 = vector.shape_cast %swap3A_197 : vector<512x1x128xf32> to vector<512x128xf32>
    %swap3A_199 = vector.shape_cast %get3A_193 : vector<512x128xf32> to vector<512x1x128xf32>
    tpu.vector_store %arg19[%swap3A_194, %swap3A_195, %swap3A_196], %swap3A_199 {strides = array<i32>} : memref<512x8x128xf32, #tpu.memory_space<vmem>>, vector<512x1x128xf32>,
    %get3A_200 = arith.constant 0 : index
    %get3A_201 = arith.constant 0 : index
    %get3A_202 = vector.load %arg7[%get3A_200, %get3A_201] : memref<1000x256xf32, #tpu.memory_space<vmem>>, vector<1000x256xf32>
    %slice3A_203 = vector.extract_strided_slice %get3A_202 {offsets = [0, 0], sizes = [1000, 128], strides = [1, 1]} : vector<1000x256xf32> to vector<1000x128xf32>
    %slice3A_204 = vector.extract_strided_slice %get3A_4 {offsets = [0, 16], sizes = [512, 1], strides = [1, 1]} : vector<512x128xi32> to vector<512x1xi32>
    %eq3A_205 = vector.broadcast %slice3A_204 : vector<512x1xi32> to vector<512x1000xi32>
    %eq3A_206 = arith.cmpi eq, %eq3A_205, %iota3A : vector<512x1000xi32>
    %convert_element_type3A_207 = arith.extui %eq3A_206 : vector<512x1000xi1> to vector<512x1000xi32>
    %convert_element_type3A_208 = arith.sitofp %convert_element_type3A_207 : vector<512x1000xi32> to vector<512x1000xf32>
    %dot_general3A_209 = arith.constant dense<0.000000e+00> : vector<512x128xf32>
    %dot_general3A_210 = tpu.matmul %convert_element_type3A_208, %slice3A_203, %dot_general3A_209 {dimension_numbers = #tpu.dot_dimension_numbers<[1], [0], [0], [1], [0, 0, 1, 1], [], []>, transpose_lhs_hint = false} : vector<512x1000xf32>, vector<1000x128xf32>, vector<512x128xf32> -> vector<512x128xf32>
    %swap3A_211 = arith.constant 0 : index
    %swap3A_212 = arith.constant 1 : index
    %swap3A_213 = arith.constant 0 : index
    %swap3A_214 = vector.load %arg19[%swap3A_211, %swap3A_212, %swap3A_213] : memref<512x8x128xf32, #tpu.memory_space<vmem>>, vector<512x1x128xf32>
    %swap3A_215 = vector.shape_cast %swap3A_214 : vector<512x1x128xf32> to vector<512x128xf32>
    %swap3A_216 = vector.shape_cast %dot_general3A_210 : vector<512x128xf32> to vector<512x1x128xf32>
    tpu.vector_store %arg19[%swap3A_211, %swap3A_212, %swap3A_213], %swap3A_216 {strides = array<i32>} : memref<512x8x128xf32, #tpu.memory_space<vmem>>, vector<512x1x128xf32>,
    %slice3A_217 = vector.extract_strided_slice %get3A_4 {offsets = [0, 17], sizes = [512, 1], strides = [1, 1]} : vector<512x128xi32> to vector<512x1xi32>
    %eq3A_218 = vector.broadcast %slice3A_217 : vector<512x1xi32> to vector<512x1000xi32>
    %eq3A_219 = arith.cmpi eq, %eq3A_218, %iota3A : vector<512x1000xi32>
    %convert_element_type3A_220 = arith.extui %eq3A_219 : vector<512x1000xi1> to vector<512x1000xi32>
    %convert_element_type3A_221 = arith.sitofp %convert_element_type3A_220 : vector<512x1000xi32> to vector<512x1000xf32>
    %dot_general3A_222 = arith.constant dense<0.000000e+00> : vector<512x128xf32>
    %dot_general3A_223 = tpu.matmul %convert_element_type3A_221, %slice3A_203, %dot_general3A_222 {dimension_numbers = #tpu.dot_dimension_numbers<[1], [0], [0], [1], [0, 0, 1, 1], [], []>, transpose_lhs_hint = false} : vector<512x1000xf32>, vector<1000x128xf32>, vector<512x128xf32> -> vector<512x128xf32>
    %swap3A_224 = arith.constant 0 : index
    %swap3A_225 = arith.constant 2 : index
    %swap3A_226 = arith.constant 0 : index
    %swap3A_227 = vector.load %arg19[%swap3A_224, %swap3A_225, %swap3A_226] : memref<512x8x128xf32, #tpu.memory_space<vmem>>, vector<512x1x128xf32>
    %swap3A_228 = vector.shape_cast %swap3A_227 : vector<512x1x128xf32> to vector<512x128xf32>
    %swap3A_229 = vector.shape_cast %dot_general3A_223 : vector<512x128xf32> to vector<512x1x128xf32>
    tpu.vector_store %arg19[%swap3A_224, %swap3A_225, %swap3A_226], %swap3A_229 {strides = array<i32>} : memref<512x8x128xf32, #tpu.memory_space<vmem>>, vector<512x1x128xf32>,
    %slice3A_230 = vector.extract_strided_slice %get3A_4 {offsets = [0, 18], sizes = [512, 1], strides = [1, 1]} : vector<512x128xi32> to vector<512x1xi32>
    %eq3A_231 = vector.broadcast %slice3A_230 : vector<512x1xi32> to vector<512x1000xi32>
    %eq3A_232 = arith.cmpi eq, %eq3A_231, %iota3A : vector<512x1000xi32>
    %convert_element_type3A_233 = arith.extui %eq3A_232 : vector<512x1000xi1> to vector<512x1000xi32>
    %convert_element_type3A_234 = arith.sitofp %convert_element_type3A_233 : vector<512x1000xi32> to vector<512x1000xf32>
    %dot_general3A_235 = arith.constant dense<0.000000e+00> : vector<512x128xf32>
    %dot_general3A_236 = tpu.matmul %convert_element_type3A_234, %slice3A_203, %dot_general3A_235 {dimension_numbers = #tpu.dot_dimension_numbers<[1], [0], [0], [1], [0, 0, 1, 1], [], []>, transpose_lhs_hint = false} : vector<512x1000xf32>, vector<1000x128xf32>, vector<512x128xf32> -> vector<512x128xf32>
    %swap3A_237 = arith.constant 0 : index
    %swap3A_238 = arith.constant 3 : index
    %swap3A_239 = arith.constant 0 : index
    %swap3A_240 = vector.load %arg19[%swap3A_237, %swap3A_238, %swap3A_239] : memref<512x8x128xf32, #tpu.memory_space<vmem>>, vector<512x1x128xf32>
    %swap3A_241 = vector.shape_cast %swap3A_240 : vector<512x1x128xf32> to vector<512x128xf32>
    %swap3A_242 = vector.shape_cast %dot_general3A_236 : vector<512x128xf32> to vector<512x1x128xf32>
    tpu.vector_store %arg19[%swap3A_237, %swap3A_238, %swap3A_239], %swap3A_242 {strides = array<i32>} : memref<512x8x128xf32, #tpu.memory_space<vmem>>, vector<512x1x128xf32>,
    %slice3A_243 = vector.extract_strided_slice %get3A_4 {offsets = [0, 19], sizes = [512, 1], strides = [1, 1]} : vector<512x128xi32> to vector<512x1xi32>
    %eq3A_244 = vector.broadcast %slice3A_243 : vector<512x1xi32> to vector<512x1000xi32>
    %eq3A_245 = arith.cmpi eq, %eq3A_244, %iota3A : vector<512x1000xi32>
    %convert_element_type3A_246 = arith.extui %eq3A_245 : vector<512x1000xi1> to vector<512x1000xi32>
    %convert_element_type3A_247 = arith.sitofp %convert_element_type3A_246 : vector<512x1000xi32> to vector<512x1000xf32>
    %dot_general3A_248 = arith.constant dense<0.000000e+00> : vector<512x128xf32>
    %dot_general3A_249 = tpu.matmul %convert_element_type3A_247, %slice3A_203, %dot_general3A_248 {dimension_numbers = #tpu.dot_dimension_numbers<[1], [0], [0], [1], [0, 0, 1, 1], [], []>, transpose_lhs_hint = false} : vector<512x1000xf32>, vector<1000x128xf32>, vector<512x128xf32> -> vector<512x128xf32>
    %swap3A_250 = arith.constant 0 : index
    %swap3A_251 = arith.constant 4 : index
    %swap3A_252 = arith.constant 0 : index
    %swap3A_253 = vector.load %arg19[%swap3A_250, %swap3A_251, %swap3A_252] : memref<512x8x128xf32, #tpu.memory_space<vmem>>, vector<512x1x128xf32>
    %swap3A_254 = vector.shape_cast %swap3A_253 : vector<512x1x128xf32> to vector<512x128xf32>
    %swap3A_255 = vector.shape_cast %dot_general3A_249 : vector<512x128xf32> to vector<512x1x128xf32>
    tpu.vector_store %arg19[%swap3A_250, %swap3A_251, %swap3A_252], %swap3A_255 {strides = array<i32>} : memref<512x8x128xf32, #tpu.memory_space<vmem>>, vector<512x1x128xf32>,
    %get3A_256 = arith.constant 0 : index
    %get3A_257 = arith.constant 0 : index
    %get3A_258 = vector.load %arg17[%get3A_256, %get3A_257] : memref<1x256xf32, #tpu.memory_space<vmem>>, vector<1x256xf32>
    %slice3A_259 = vector.extract_strided_slice %get3A_258 {offsets = [0, 128], sizes = [1, 128], strides = [1, 1]} : vector<1x256xf32> to vector<1x128xf32>
    %get3A_260 = arith.constant 0 : index
    %get3A_261 = arith.constant 0 : index
    %get3A_262 = vector.load %arg16[%get3A_260, %get3A_261] : memref<128x128xf32, #tpu.memory_space<vmem>>, vector<128x128xf32>
    %dot_general3A_263 = arith.constant dense<0.000000e+00> : vector<1x128xf32>
    %dot_general3A_264 = tpu.matmul %slice3A_259, %get3A_262, %dot_general3A_263 {dimension_numbers = #tpu.dot_dimension_numbers<[1], [0], [0], [1], [0, 0, 1, 1], [], []>, transpose_lhs_hint = false} : vector<1x128xf32>, vector<128x128xf32>, vector<1x128xf32> -> vector<1x128xf32>
    %broadcast_in_dim3A_265 = vector.shape_cast %dot_general3A_264 : vector<1x128xf32> to vector<1x128xf32>
    %broadcast_in_dim3A_266 = vector.broadcast %broadcast_in_dim3A_265 : vector<1x128xf32> to vector<512x128xf32>
    %swap3A_267 = arith.constant 0 : index
    %swap3A_268 = arith.constant 5 : index
    %swap3A_269 = arith.constant 0 : index
    %swap3A_270 = vector.load %arg19[%swap3A_267, %swap3A_268, %swap3A_269] : memref<512x8x128xf32, #tpu.memory_space<vmem>>, vector<512x1x128xf32>
    %swap3A_271 = vector.shape_cast %swap3A_270 : vector<512x1x128xf32> to vector<512x128xf32>
    %swap3A_272 = vector.shape_cast %broadcast_in_dim3A_266 : vector<512x128xf32> to vector<512x1x128xf32>
    tpu.vector_store %arg19[%swap3A_267, %swap3A_268, %swap3A_269], %swap3A_272 {strides = array<i32>} : memref<512x8x128xf32, #tpu.memory_space<vmem>>, vector<512x1x128xf32>,
    %broadcast_in_dim3A_273 = arith.constant 0.000000e+00 : f32
    %broadcast_in_dim3A_274 = vector.broadcast %broadcast_in_dim3A_273 : f32 to vector<512x128xf32>
    %swap3A_275 = arith.constant 0 : index
    %swap3A_276 = arith.constant 6 : index
    %swap3A_277 = arith.constant 0 : index
    %swap3A_278 = vector.load %arg19[%swap3A_275, %swap3A_276, %swap3A_277] : memref<512x8x128xf32, #tpu.memory_space<vmem>>, vector<512x1x128xf32>
    %swap3A_279 = vector.shape_cast %swap3A_278 : vector<512x1x128xf32> to vector<512x128xf32>
    %swap3A_280 = vector.shape_cast %broadcast_in_dim3A_274 : vector<512x128xf32> to vector<512x1x128xf32>
    tpu.vector_store %arg19[%swap3A_275, %swap3A_276, %swap3A_277], %swap3A_280 {strides = array<i32>} : memref<512x8x128xf32, #tpu.memory_space<vmem>>, vector<512x1x128xf32>,
    %broadcast_in_dim3A_281 = arith.constant 0.000000e+00 : f32
    %broadcast_in_dim3A_282 = vector.broadcast %broadcast_in_dim3A_281 : f32 to vector<512x128xf32>
    %swap3A_283 = arith.constant 0 : index
    %swap3A_284 = arith.constant 7 : index
    %swap3A_285 = arith.constant 0 : index
    %swap3A_286 = vector.load %arg19[%swap3A_283, %swap3A_284, %swap3A_285] : memref<512x8x128xf32, #tpu.memory_space<vmem>>, vector<512x1x128xf32>
    %swap3A_287 = vector.shape_cast %swap3A_286 : vector<512x1x128xf32> to vector<512x128xf32>
    %swap3A_288 = vector.shape_cast %broadcast_in_dim3A_282 : vector<512x128xf32> to vector<512x1x128xf32>
    tpu.vector_store %arg19[%swap3A_283, %swap3A_284, %swap3A_285], %swap3A_288 {strides = array<i32>} : memref<512x8x128xf32, #tpu.memory_space<vmem>>, vector<512x1x128xf32>,
    return
  }
  func.func @transform_0(%arg0: i32) -> (i32, i32) {
    %c0_i32 = arith.constant 0 : i32
    %c0_i32_0 = arith.constant 0 : i32
    return %arg0, %c0_i32 : i32, i32
  }
  func.func @transform_1(%arg0: i32) -> (i32, i32) {
    %c0_i32 = arith.constant 0 : i32
    %c0_i32_0 = arith.constant 0 : i32
    return %arg0, %c0_i32 : i32, i32
  }
  func.func @transform_2(%arg0: i32) -> (i32, i32) {
    %c0_i32 = arith.constant 0 : i32
    %c0_i32_0 = arith.constant 0 : i32
    return %arg0, %c0_i32 : i32, i32
  }
  func.func @transform_3(%arg0: i32) -> (i32, i32) {
    %c0_i32 = arith.constant 0 : i32
    %c0_i32_0 = arith.constant 0 : i32
    return %arg0, %c0_i32 : i32, i32
  }
  func.func @transform_4(%arg0: i32) -> (i32, i32) {
    %c0_i32 = arith.constant 0 : i32
    %c0_i32_0 = arith.constant 0 : i32
    return %arg0, %c0_i32 : i32, i32
  }
  func.func @transform_5(%arg0: i32) -> (i32, i32) {
    %c0_i32 = arith.constant 0 : i32
    %c0_i32_0 = arith.constant 0 : i32
    return %arg0, %c0_i32 : i32, i32
  }
  func.func @transform_6(%arg0: i32) -> (i32, i32) {
    %c0_i32 = arith.constant 0 : i32
    %c0_i32_0 = arith.constant 0 : i32
    %c0_i32_1 = arith.constant 0 : i32
    return %c0_i32, %c0_i32_0 : i32, i32
  }
  func.func @transform_7(%arg0: i32) -> (i32, i32) {
    %c0_i32 = arith.constant 0 : i32
    %c0_i32_0 = arith.constant 0 : i32
    %c0_i32_1 = arith.constant 0 : i32
    return %c0_i32, %c0_i32_0 : i32, i32
  }
  func.func @transform_8(%arg0: i32) -> (i32, i32) {
    %c0_i32 = arith.constant 0 : i32
    %c0_i32_0 = arith.constant 0 : i32
    %c0_i32_1 = arith.constant 0 : i32
    return %c0_i32, %c0_i32_0 : i32, i32
  }
  func.func @transform_9(%arg0: i32) -> (i32, i32) {
    %c0_i32 = arith.constant 0 : i32
    %c0_i32_0 = arith.constant 0 : i32
    %c0_i32_1 = arith.constant 0 : i32
    return %c0_i32, %c0_i32_0 : i32, i32
  }
  func.func @transform_10(%arg0: i32) -> (i32, i32) {
    %c0_i32 = arith.constant 0 : i32
    %c0_i32_0 = arith.constant 0 : i32
    %c0_i32_1 = arith.constant 0 : i32
    return %c0_i32, %c0_i32_0 : i32, i32
  }
  func.func @transform_11(%arg0: i32) -> (i32, i32) {
    %c0_i32 = arith.constant 0 : i32
    %c0_i32_0 = arith.constant 0 : i32
    %c0_i32_1 = arith.constant 0 : i32
    return %c0_i32, %c0_i32_0 : i32, i32
  }
  func.func @transform_12(%arg0: i32) -> (i32, i32) {
    %c0_i32 = arith.constant 0 : i32
    %c0_i32_0 = arith.constant 0 : i32
    %c0_i32_1 = arith.constant 0 : i32
    return %c0_i32, %c0_i32_0 : i32, i32
  }
  func.func @transform_13(%arg0: i32) -> (i32, i32) {
    %c0_i32 = arith.constant 0 : i32
    %c0_i32_0 = arith.constant 0 : i32
    %c0_i32_1 = arith.constant 0 : i32
    return %c0_i32, %c0_i32_0 : i32, i32
  }
  func.func @transform_14(%arg0: i32) -> (i32, i32) {
    %c0_i32 = arith.constant 0 : i32
    %c0_i32_0 = arith.constant 0 : i32
    %c0_i32_1 = arith.constant 0 : i32
    return %c0_i32, %c0_i32_0 : i32, i32
  }
  func.func @transform_15(%arg0: i32) -> (i32, i32) {
    %c0_i32 = arith.constant 0 : i32
    %c0_i32_0 = arith.constant 0 : i32
    %c0_i32_1 = arith.constant 0 : i32
    return %c0_i32, %c0_i32_0 : i32, i32
  }
  func.func @transform_16(%arg0: i32) -> (i32, i32) {
    %c0_i32 = arith.constant 0 : i32
    %c0_i32_0 = arith.constant 0 : i32
    %c0_i32_1 = arith.constant 0 : i32
    return %c0_i32, %c0_i32_0 : i32, i32
  }
  func.func @transform_17(%arg0: i32) -> (i32, i32) {
    %c0_i32 = arith.constant 0 : i32
    %c0_i32_0 = arith.constant 0 : i32
    return %arg0, %c0_i32 : i32, i32
  }
  func.func @transform_18(%arg0: i32) -> (i32, i32, i32) {
    %c0_i32 = arith.constant 0 : i32
    %c0_i32_0 = arith.constant 0 : i32
    %c0_i32_1 = arith.constant 0 : i32
    return %arg0, %c0_i32, %c0_i32_0 : i32, i32, i32
  }
}

module attributes {stable_mosaic.version = 14 : i64} {
  func.func @_b_body(%arg0: i32, %arg1: memref<1x32x384xf32, #tpu.memory_space<vmem>>, %arg2: memref<1x32x8x128xf32, #tpu.memory_space<vmem>>, %arg3: memref<1x32x64xf32, #tpu.memory_space<vmem>>, %arg4: memref<32x128xf32, #tpu.memory_space<vmem>>, %arg5: memref<32x128xf32, #tpu.memory_space<vmem>>, %arg6: memref<128x384xf32, #tpu.memory_space<vmem>>, %arg7: memref<128x384xf32, #tpu.memory_space<vmem>>, %arg8: memref<128x384xf32, #tpu.memory_space<vmem>>, %arg9: memref<1x384xf32, #tpu.memory_space<vmem>>, %arg10: memref<1x384xf32, #tpu.memory_space<vmem>>, %arg11: memref<1x384xf32, #tpu.memory_space<vmem>>, %arg12: memref<128x128xf32, #tpu.memory_space<vmem>>, %arg13: memref<1x128xf32, #tpu.memory_space<vmem>>, %arg14: memref<1x128xf32, #tpu.memory_space<vmem>>, %arg15: memref<1x256xf32, #tpu.memory_space<vmem>>, %arg16: memref<1x128xf32, #tpu.memory_space<vmem>>, %arg17: memref<32x64xf32, #tpu.memory_space<vmem>>, %arg18: memref<32x128xf32, #tpu.memory_space<vmem>>, %arg19: memref<32x128xf32, #tpu.memory_space<vmem>>, %arg20: memref<32x66x128xf32, #tpu.memory_space<vmem>>) attributes {dimension_semantics = [#tpu.dimension_semantics<arbitrary>], iteration_bounds = array<i64: 64>, scalar_prefetch = 0 : i64, scratch_operands = 3 : i64, tpu.core_type = #tpu.core_type<tc>, window_params = [{transform_indices = @transform_0, window_bounds = array<i64: 1, 32, 384>}, {transform_indices = @transform_1, window_bounds = array<i64: 1, 32, 8, 128>}, {transform_indices = @transform_2, window_bounds = array<i64: 1, 32, 64>}, {pipeline_mode = #tpu.pipeline_mode<synchronous>, transform_indices = @transform_3, window_bounds = array<i64: 32, 128>}, {pipeline_mode = #tpu.pipeline_mode<synchronous>, transform_indices = @transform_4, window_bounds = array<i64: 32, 128>}, {pipeline_mode = #tpu.pipeline_mode<synchronous>, transform_indices = @transform_5, window_bounds = array<i64: 128, 384>}, {pipeline_mode = #tpu.pipeline_mode<synchronous>, transform_indices = @transform_6, window_bounds = array<i64: 128, 384>}, {pipeline_mode = #tpu.pipeline_mode<synchronous>, transform_indices = @transform_7, window_bounds = array<i64: 128, 384>}, {pipeline_mode = #tpu.pipeline_mode<synchronous>, transform_indices = @transform_8, window_bounds = array<i64: 1, 384>}, {pipeline_mode = #tpu.pipeline_mode<synchronous>, transform_indices = @transform_9, window_bounds = array<i64: 1, 384>}, {pipeline_mode = #tpu.pipeline_mode<synchronous>, transform_indices = @transform_10, window_bounds = array<i64: 1, 384>}, {pipeline_mode = #tpu.pipeline_mode<synchronous>, transform_indices = @transform_11, window_bounds = array<i64: 128, 128>}, {pipeline_mode = #tpu.pipeline_mode<synchronous>, transform_indices = @transform_12, window_bounds = array<i64: 1, 128>}, {pipeline_mode = #tpu.pipeline_mode<synchronous>, transform_indices = @transform_13, window_bounds = array<i64: 1, 128>}, {pipeline_mode = #tpu.pipeline_mode<synchronous>, transform_indices = @transform_14, window_bounds = array<i64: 1, 256>}, {pipeline_mode = #tpu.pipeline_mode<synchronous>, transform_indices = @transform_15, window_bounds = array<i64: 1, 128>}, {pipeline_mode = #tpu.pipeline_mode<synchronous>, transform_indices = @transform_16, window_bounds = array<i64: 32, 64>}]} {
    %get3A = arith.constant 0 : index
    %get3A_0 = arith.constant 0 : index
    %get3A_1 = vector.load %arg15[%get3A, %get3A_0] : memref<1x256xf32, #tpu.memory_space<vmem>>, vector<1x256xf32>
    %slice3A = vector.extract_strided_slice %get3A_1 {offsets = [0, 0], sizes = [1, 128], strides = [1, 1]} : vector<1x256xf32> to vector<1x128xf32>
    %slice3A_2 = vector.extract_strided_slice %get3A_1 {offsets = [0, 128], sizes = [1, 128], strides = [1, 1]} : vector<1x256xf32> to vector<1x128xf32>
    %eq3A = arith.constant 0 : i32
    %eq3A_3 = arith.cmpi eq, %arg0, %eq3A : i32
    %convert_element_type3A = arith.extui %eq3A_3 : i1 to i32
    %cond3A = arith.constant 0 : i32
    %cond3A_4 = arith.cmpi ne, %convert_element_type3A, %cond3A : i32
    scf.if %cond3A_4 {
      %get3A_187 = arith.constant 0 : index
      %get3A_188 = arith.constant 0 : index
      %get3A_189 = vector.load %arg4[%get3A_187, %get3A_188] : memref<32x128xf32, #tpu.memory_space<vmem>>, vector<32x128xf32>
      %swap3A = arith.constant 0 : index
      %swap3A_190 = arith.constant 0 : index
      %swap3A_191 = vector.load %arg18[%swap3A, %swap3A_190] : memref<32x128xf32, #tpu.memory_space<vmem>>, vector<32x128xf32>
      tpu.vector_store %arg18[%swap3A, %swap3A_190], %get3A_189 {strides = array<i32>} : memref<32x128xf32, #tpu.memory_space<vmem>>, vector<32x128xf32>,
      %get3A_192 = arith.constant 0 : index
      %get3A_193 = arith.constant 0 : index
      %get3A_194 = vector.load %arg5[%get3A_192, %get3A_193] : memref<32x128xf32, #tpu.memory_space<vmem>>, vector<32x128xf32>
      %swap3A_195 = arith.constant 0 : index
      %swap3A_196 = arith.constant 0 : index
      %swap3A_197 = vector.load %arg19[%swap3A_195, %swap3A_196] : memref<32x128xf32, #tpu.memory_space<vmem>>, vector<32x128xf32>
      tpu.vector_store %arg19[%swap3A_195, %swap3A_196], %get3A_194 {strides = array<i32>} : memref<32x128xf32, #tpu.memory_space<vmem>>, vector<32x128xf32>,
      %broadcast_in_dim3A_198 = arith.constant 0.000000e+00 : f32
      %broadcast_in_dim3A_199 = vector.broadcast %broadcast_in_dim3A_198 : f32 to vector<32x66x128xf32>
      %swap3A_200 = arith.constant 0 : index
      %swap3A_201 = arith.constant 0 : index
      %swap3A_202 = arith.constant 0 : index
      %swap3A_203 = vector.load %arg20[%swap3A_200, %swap3A_201, %swap3A_202] : memref<32x66x128xf32, #tpu.memory_space<vmem>>, vector<32x66x128xf32>
      tpu.vector_store %arg20[%swap3A_200, %swap3A_201, %swap3A_202], %broadcast_in_dim3A_199 {strides = array<i32>} : memref<32x66x128xf32, #tpu.memory_space<vmem>>, vector<32x66x128xf32>,
      %get3A_204 = arith.constant 0 : index
      %get3A_205 = arith.constant 0 : index
      %get3A_206 = vector.load %arg12[%get3A_204, %get3A_205] : memref<128x128xf32, #tpu.memory_space<vmem>>, vector<128x128xf32>
      %dot_general3A_207 = arith.constant dense<0.000000e+00> : vector<1x128xf32>
      %dot_general3A_208 = tpu.matmul %slice3A, %get3A_206, %dot_general3A_207 {dimension_numbers = #tpu.dot_dimension_numbers<[1], [0], [0], [1], [0, 0, 1, 1], [], []>, transpose_lhs_hint = false} : vector<1x128xf32>, vector<128x128xf32>, vector<1x128xf32> -> vector<1x128xf32>
      %broadcast_in_dim3A_209 = vector.shape_cast %dot_general3A_208 : vector<1x128xf32> to vector<1x1x128xf32>
      %broadcast_in_dim3A_210 = vector.shape_cast %broadcast_in_dim3A_209 : vector<1x1x128xf32> to vector<1x1x128xf32>
      %broadcast_in_dim3A_211 = vector.broadcast %broadcast_in_dim3A_210 : vector<1x1x128xf32> to vector<32x1x128xf32>
      %swap3A_212 = arith.constant 0 : index
      %swap3A_213 = arith.constant 64 : index
      %swap3A_214 = arith.constant 0 : index
      %swap3A_215 = vector.load %arg20[%swap3A_212, %swap3A_213, %swap3A_214] : memref<32x66x128xf32, #tpu.memory_space<vmem>>, vector<32x1x128xf32>
      tpu.vector_store %arg20[%swap3A_212, %swap3A_213, %swap3A_214], %broadcast_in_dim3A_211 {strides = array<i32>} : memref<32x66x128xf32, #tpu.memory_space<vmem>>, vector<32x1x128xf32>,
      %broadcast_in_dim3A_216 = arith.constant 0.000000e+00 : f32
      %broadcast_in_dim3A_217 = vector.broadcast %broadcast_in_dim3A_216 : f32 to vector<32x64xf32>
      %swap3A_218 = arith.constant 0 : index
      %swap3A_219 = arith.constant 0 : index
      %swap3A_220 = vector.load %arg17[%swap3A_218, %swap3A_219] : memref<32x64xf32, #tpu.memory_space<vmem>>, vector<32x64xf32>
      tpu.vector_store %arg17[%swap3A_218, %swap3A_219], %broadcast_in_dim3A_217 {strides = array<i32>} : memref<32x64xf32, #tpu.memory_space<vmem>>, vector<32x64xf32>,
    } else {
    }
    %eq3A_5 = arith.constant 2 : i32
    %eq3A_6 = arith.cmpi eq, %arg0, %eq3A_5 : i32
    %convert_element_type3A_7 = arith.extui %eq3A_6 : i1 to i32
    %cond3A_8 = arith.constant 0 : i32
    %cond3A_9 = arith.cmpi ne, %convert_element_type3A_7, %cond3A_8 : i32
    scf.if %cond3A_9 {
      %broadcast_in_dim3A_187 = arith.constant 0.000000e+00 : f32
      %broadcast_in_dim3A_188 = vector.broadcast %broadcast_in_dim3A_187 : f32 to vector<32x1x128xf32>
      %swap3A = arith.constant 0 : index
      %swap3A_189 = arith.constant 0 : index
      %swap3A_190 = arith.constant 0 : index
      %swap3A_191 = vector.load %arg20[%swap3A, %swap3A_189, %swap3A_190] : memref<32x66x128xf32, #tpu.memory_space<vmem>>, vector<32x1x128xf32>
      tpu.vector_store %arg20[%swap3A, %swap3A_189, %swap3A_190], %broadcast_in_dim3A_188 {strides = array<i32>} : memref<32x66x128xf32, #tpu.memory_space<vmem>>, vector<32x1x128xf32>,
    } else {
    }
    %get3A_10 = arith.constant 0 : index
    %get3A_11 = arith.constant 0 : index
    %get3A_12 = arith.constant 0 : index
    %get3A_13 = vector.load %arg20[%get3A_10, %get3A_11, %get3A_12] : memref<32x66x128xf32, #tpu.memory_space<vmem>>, vector<32x66x128xf32>
    %get3A_14 = arith.constant 0 : index
    %get3A_15 = arith.constant 0 : index
    %get3A_16 = vector.load %arg13[%get3A_14, %get3A_15] : memref<1x128xf32, #tpu.memory_space<vmem>>, vector<1x128xf32>
    %mul3A = arith.mulf %get3A_16, %slice3A : vector<1x128xf32>
    %reduce_sum3A = arith.constant dense<0.000000e+00> : vector<1xf32>
    %reduce_sum3A_17 = vector.multi_reduction <add>, %mul3A, %reduce_sum3A [1] : vector<1x128xf32> to vector<1xf32>
    %broadcast_in_dim3A = vector.shape_cast %reduce_sum3A_17 : vector<1xf32> to vector<1x1xf32>
    %get3A_18 = arith.constant 0 : index
    %get3A_19 = arith.constant 0 : index
    %get3A_20 = vector.load %arg14[%get3A_18, %get3A_19] : memref<1x128xf32, #tpu.memory_space<vmem>>, vector<1x128xf32>
    %mul3A_21 = arith.mulf %get3A_20, %slice3A_2 : vector<1x128xf32>
    %reduce_sum3A_22 = arith.constant dense<0.000000e+00> : vector<1xf32>
    %reduce_sum3A_23 = vector.multi_reduction <add>, %mul3A_21, %reduce_sum3A_22 [1] : vector<1x128xf32> to vector<1xf32>
    %broadcast_in_dim3A_24 = vector.shape_cast %reduce_sum3A_23 : vector<1xf32> to vector<1x1xf32>
    %get3A_25 = arith.constant 0 : index
    %get3A_26 = arith.constant 0 : index
    %get3A_27 = vector.load %arg16[%get3A_25, %get3A_26] : memref<1x128xf32, #tpu.memory_space<vmem>>, vector<1x128xf32>
    %slice3A_28 = vector.extract_strided_slice %get3A_27 {offsets = [0, 0], sizes = [1, 1], strides = [1, 1]} : vector<1x128xf32> to vector<1x1xf32>
    %add3A = arith.addf %broadcast_in_dim3A_24, %slice3A_28 : vector<1x1xf32>
    %get3A_29 = arith.constant 0 : index
    %get3A_30 = arith.constant 0 : index
    %get3A_31 = arith.constant 0 : index
    %get3A_32 = arith.constant 0 : index
    %get3A_33 = vector.load %arg2[%get3A_29, %get3A_30, %get3A_31, %get3A_32] : memref<1x32x8x128xf32, #tpu.memory_space<vmem>>, vector<1x32x8x128xf32>
    %get3A_34 = vector.shape_cast %get3A_33 : vector<1x32x8x128xf32> to vector<32x8x128xf32>
    %dot_general3A = arith.constant dense<0.000000e+00> : vector<32x8x66xf32>
    %dot_general3A_35 = tpu.matmul %get3A_34, %get3A_13, %dot_general3A {dimension_numbers = #tpu.dot_dimension_numbers<[2], [2], [1], [1], [0, 0, 0, 1, 1, 1], [0], [0]>, transpose_lhs_hint = false} : vector<32x8x128xf32>, vector<32x66x128xf32>, vector<32x8x66xf32> -> vector<32x8x66xf32>
    %slice3A_36 = vector.extract_strided_slice %dot_general3A_35 {offsets = [0, 0, 0], sizes = [32, 5, 64], strides = [1, 1, 1]} : vector<32x8x66xf32> to vector<32x5x64xf32>
    %logistic3A = arith.negf %slice3A_36 : vector<32x5x64xf32>
    %logistic3A_37 = math.exp %logistic3A : vector<32x5x64xf32>
    %logistic3A_38 = arith.constant 1.000000e+00 : f32
    %logistic3A_39 = vector.broadcast %logistic3A_38 : f32 to vector<32x5x64xf32>
    %logistic3A_40 = arith.addf %logistic3A_39, %logistic3A_37 : vector<32x5x64xf32>
    %logistic3A_41 = arith.divf %logistic3A_39, %logistic3A_40 : vector<32x5x64xf32>
    %slice3A_42 = vector.extract_strided_slice %dot_general3A_35 {offsets = [0, 0, 64], sizes = [32, 5, 1], strides = [1, 1, 1]} : vector<32x8x66xf32> to vector<32x5x1xf32>
    %slice3A_43 = vector.extract_strided_slice %dot_general3A_35 {offsets = [0, 5, 0], sizes = [32, 1, 64], strides = [1, 1, 1]} : vector<32x8x66xf32> to vector<32x1x64xf32>
    %get3A_44 = arith.constant 0 : index
    %get3A_45 = arith.constant 0 : index
    %get3A_46 = arith.constant 0 : index
    %get3A_47 = vector.load %arg3[%get3A_44, %get3A_45, %get3A_46] : memref<1x32x64xf32, #tpu.memory_space<vmem>>, vector<1x32x64xf32>
    %get3A_48 = vector.shape_cast %get3A_47 : vector<1x32x64xf32> to vector<32x64xf32>
    %broadcast_in_dim3A_49 = vector.shape_cast %get3A_48 : vector<32x64xf32> to vector<32x1x64xf32>
    %add3A_50 = vector.broadcast %slice3A_42 : vector<32x5x1xf32> to vector<32x5x64xf32>
    %add3A_51 = vector.broadcast %slice3A_43 : vector<32x1x64xf32> to vector<32x5x64xf32>
    %add3A_52 = arith.addf %add3A_50, %add3A_51 : vector<32x5x64xf32>
    %add3A_53 = vector.broadcast %broadcast_in_dim3A_49 : vector<32x1x64xf32> to vector<32x5x64xf32>
    %add3A_54 = arith.addf %add3A_52, %add3A_53 : vector<32x5x64xf32>
    %add3A_55 = arith.addf %broadcast_in_dim3A, %add3A : vector<1x1xf32>
    %reshape3A = vector.shape_cast %add3A_55 : vector<1x1xf32> to vector<1x1x1xf32>
    %add3A_56 = vector.broadcast %reshape3A : vector<1x1x1xf32> to vector<32x5x64xf32>
    %add3A_57 = arith.addf %add3A_54, %add3A_56 : vector<32x5x64xf32>
    %reduce_max3A = arith.constant dense<0xFF800000> : vector<32x5xf32>
    %reduce_max3A_58 = vector.multi_reduction <maximumf>, %add3A_57, %reduce_max3A [2] : vector<32x5x64xf32> to vector<32x5xf32>
    %broadcast_in_dim3A_59 = vector.shape_cast %reduce_max3A_58 : vector<32x5xf32> to vector<32x5x1xf32>
    %reduce_max3A_60 = arith.constant dense<0xFF800000> : vector<32x1xf32>
    %reduce_max3A_61 = vector.multi_reduction <maximumf>, %broadcast_in_dim3A_59, %reduce_max3A_60 [1] : vector<32x5x1xf32> to vector<32x1xf32>
    %broadcast_in_dim3A_62 = vector.shape_cast %reduce_max3A_61 : vector<32x1xf32> to vector<32x1x1xf32>
    %sub3A = vector.broadcast %broadcast_in_dim3A_62 : vector<32x1x1xf32> to vector<32x5x64xf32>
    %sub3A_63 = arith.subf %add3A_57, %sub3A : vector<32x5x64xf32>
    %exp3A = math.exp %sub3A_63 : vector<32x5x64xf32>
    %mul3A_64 = arith.mulf %exp3A, %logistic3A_41 : vector<32x5x64xf32>
    %reduce_sum3A_65 = arith.constant dense<0.000000e+00> : vector<32x5xf32>
    %reduce_sum3A_66 = vector.multi_reduction <add>, %mul3A_64, %reduce_sum3A_65 [2] : vector<32x5x64xf32> to vector<32x5xf32>
    %broadcast_in_dim3A_67 = vector.shape_cast %reduce_sum3A_66 : vector<32x5xf32> to vector<32x5x1xf32>
    %reduce_sum3A_68 = arith.constant dense<0.000000e+00> : vector<32x1xf32>
    %reduce_sum3A_69 = vector.multi_reduction <add>, %broadcast_in_dim3A_67, %reduce_sum3A_68 [1] : vector<32x5x1xf32> to vector<32x1xf32>
    %reduce_sum3A_70 = arith.constant dense<0.000000e+00> : vector<32x5xf32>
    %reduce_sum3A_71 = vector.multi_reduction <add>, %exp3A, %reduce_sum3A_70 [2] : vector<32x5x64xf32> to vector<32x5xf32>
    %broadcast_in_dim3A_72 = vector.shape_cast %reduce_sum3A_71 : vector<32x5xf32> to vector<32x5x1xf32>
    %reduce_sum3A_73 = arith.constant dense<0.000000e+00> : vector<32x1xf32>
    %reduce_sum3A_74 = vector.multi_reduction <add>, %broadcast_in_dim3A_72, %reduce_sum3A_73 [1] : vector<32x5x1xf32> to vector<32x1xf32>
    %div3A = arith.divf %reduce_sum3A_69, %reduce_sum3A_74 : vector<32x1xf32>
    %gt3A = arith.constant 0 : i32
    %gt3A_75 = arith.cmpi sgt, %arg0, %gt3A : i32
    %convert_element_type3A_76 = arith.extui %gt3A_75 : i1 to i32
    %cond3A_77 = arith.constant 0 : i32
    %cond3A_78 = arith.cmpi ne, %convert_element_type3A_76, %cond3A_77 : i32
    scf.if %cond3A_78 {
      %eq3A_187 = arith.constant 1 : i32
      %eq3A_188 = arith.cmpi eq, %arg0, %eq3A_187 : i32
      %jit3A = arith.constant 0 : i32
      %select_n3A = arith.select %eq3A_188, %jit3A, %arg0 : i32
      %iota3A = tpu.iota {dimensions = array<i32: 1>} : vector<32x64xi32>
      %eq3A_189 = vector.broadcast %select_n3A : i32 to vector<32x64xi32>
      %eq3A_190 = arith.cmpi eq, %iota3A, %eq3A_189 : vector<32x64xi32>
      %broadcast_in_dim3A_191 = vector.shape_cast %div3A : vector<32x1xf32> to vector<32x1xf32>
      %broadcast_in_dim3A_192 = vector.broadcast %broadcast_in_dim3A_191 : vector<32x1xf32> to vector<32x64xf32>
      %get3A_193 = arith.constant 0 : index
      %get3A_194 = arith.constant 0 : index
      %get3A_195 = vector.load %arg17[%get3A_193, %get3A_194] : memref<32x64xf32, #tpu.memory_space<vmem>>, vector<32x64xf32>
      %select_n3A_196 = arith.select %eq3A_190, %broadcast_in_dim3A_192, %get3A_195 : vector<32x64xi1>, vector<32x64xf32>
      %swap3A = arith.constant 0 : index
      %swap3A_197 = arith.constant 0 : index
      %swap3A_198 = vector.load %arg17[%swap3A, %swap3A_197] : memref<32x64xf32, #tpu.memory_space<vmem>>, vector<32x64xf32>
      tpu.vector_store %arg17[%swap3A, %swap3A_197], %select_n3A_196 {strides = array<i32>} : memref<32x64xf32, #tpu.memory_space<vmem>>, vector<32x64xf32>,
    } else {
    }
    %get3A_79 = arith.constant 0 : index
    %get3A_80 = arith.constant 0 : index
    %get3A_81 = vector.load %arg18[%get3A_79, %get3A_80] : memref<32x128xf32, #tpu.memory_space<vmem>>, vector<32x128xf32>
    %get3A_82 = arith.constant 0 : index
    %get3A_83 = arith.constant 0 : index
    %get3A_84 = vector.load %arg19[%get3A_82, %get3A_83] : memref<32x128xf32, #tpu.memory_space<vmem>>, vector<32x128xf32>
    %get3A_85 = arith.constant 0 : index
    %get3A_86 = arith.constant 0 : index
    %get3A_87 = arith.constant 0 : index
    %get3A_88 = vector.load %arg1[%get3A_85, %get3A_86, %get3A_87] : memref<1x32x384xf32, #tpu.memory_space<vmem>>, vector<1x32x384xf32>
    %get3A_89 = vector.shape_cast %get3A_88 : vector<1x32x384xf32> to vector<32x384xf32>
    %get3A_90 = arith.constant 0 : index
    %get3A_91 = arith.constant 0 : index
    %get3A_92 = vector.load %arg6[%get3A_90, %get3A_91] : memref<128x384xf32, #tpu.memory_space<vmem>>, vector<128x384xf32>
    %dot_general3A_93 = arith.constant dense<0.000000e+00> : vector<32x384xf32>
    %dot_general3A_94 = tpu.matmul %get3A_81, %get3A_92, %dot_general3A_93 {dimension_numbers = #tpu.dot_dimension_numbers<[1], [0], [0], [1], [0, 0, 1, 1], [], []>, transpose_lhs_hint = false} : vector<32x128xf32>, vector<128x384xf32>, vector<32x384xf32> -> vector<32x384xf32>
    %get3A_95 = arith.constant 0 : index
    %get3A_96 = arith.constant 0 : index
    %get3A_97 = vector.load %arg9[%get3A_95, %get3A_96] : memref<1x384xf32, #tpu.memory_space<vmem>>, vector<1x384xf32>
    %add3A_98 = vector.broadcast %get3A_97 : vector<1x384xf32> to vector<32x384xf32>
    %add3A_99 = arith.addf %dot_general3A_94, %add3A_98 : vector<32x384xf32>
    %slice3A_100 = vector.extract_strided_slice %get3A_89 {offsets = [0, 0], sizes = [32, 128], strides = [1, 1]} : vector<32x384xf32> to vector<32x128xf32>
    %slice3A_101 = vector.extract_strided_slice %add3A_99 {offsets = [0, 0], sizes = [32, 128], strides = [1, 1]} : vector<32x384xf32> to vector<32x128xf32>
    %add3A_102 = arith.addf %slice3A_100, %slice3A_101 : vector<32x128xf32>
    %logistic3A_103 = arith.negf %add3A_102 : vector<32x128xf32>
    %logistic3A_104 = math.exp %logistic3A_103 : vector<32x128xf32>
    %logistic3A_105 = arith.constant 1.000000e+00 : f32
    %logistic3A_106 = vector.broadcast %logistic3A_105 : f32 to vector<32x128xf32>
    %logistic3A_107 = arith.addf %logistic3A_106, %logistic3A_104 : vector<32x128xf32>
    %logistic3A_108 = arith.divf %logistic3A_106, %logistic3A_107 : vector<32x128xf32>
    %slice3A_109 = vector.extract_strided_slice %get3A_89 {offsets = [0, 128], sizes = [32, 128], strides = [1, 1]} : vector<32x384xf32> to vector<32x128xf32>
    %slice3A_110 = vector.extract_strided_slice %add3A_99 {offsets = [0, 128], sizes = [32, 128], strides = [1, 1]} : vector<32x384xf32> to vector<32x128xf32>
    %add3A_111 = arith.addf %slice3A_109, %slice3A_110 : vector<32x128xf32>
    %logistic3A_112 = arith.negf %add3A_111 : vector<32x128xf32>
    %logistic3A_113 = math.exp %logistic3A_112 : vector<32x128xf32>
    %logistic3A_114 = arith.constant 1.000000e+00 : f32
    %logistic3A_115 = vector.broadcast %logistic3A_114 : f32 to vector<32x128xf32>
    %logistic3A_116 = arith.addf %logistic3A_115, %logistic3A_113 : vector<32x128xf32>
    %logistic3A_117 = arith.divf %logistic3A_115, %logistic3A_116 : vector<32x128xf32>
    %slice3A_118 = vector.extract_strided_slice %get3A_89 {offsets = [0, 256], sizes = [32, 128], strides = [1, 1]} : vector<32x384xf32> to vector<32x128xf32>
    %slice3A_119 = vector.extract_strided_slice %add3A_99 {offsets = [0, 256], sizes = [32, 128], strides = [1, 1]} : vector<32x384xf32> to vector<32x128xf32>
    %mul3A_120 = arith.mulf %logistic3A_108, %slice3A_119 : vector<32x128xf32>
    %add3A_121 = arith.addf %slice3A_118, %mul3A_120 : vector<32x128xf32>
    %tanh3A = math.tanh %add3A_121 : vector<32x128xf32>
    %sub3A_122 = arith.constant 1.000000e+00 : f32
    %sub3A_123 = vector.broadcast %sub3A_122 : f32 to vector<32x128xf32>
    %sub3A_124 = arith.subf %sub3A_123, %logistic3A_117 : vector<32x128xf32>
    %mul3A_125 = arith.mulf %sub3A_124, %tanh3A : vector<32x128xf32>
    %mul3A_126 = arith.mulf %logistic3A_117, %get3A_81 : vector<32x128xf32>
    %add3A_127 = arith.addf %mul3A_125, %mul3A_126 : vector<32x128xf32>
    %get3A_128 = arith.constant 0 : index
    %get3A_129 = arith.constant 0 : index
    %get3A_130 = vector.load %arg7[%get3A_128, %get3A_129] : memref<128x384xf32, #tpu.memory_space<vmem>>, vector<128x384xf32>
    %dot_general3A_131 = arith.constant dense<0.000000e+00> : vector<32x384xf32>
    %dot_general3A_132 = tpu.matmul %add3A_127, %get3A_130, %dot_general3A_131 {dimension_numbers = #tpu.dot_dimension_numbers<[1], [0], [0], [1], [0, 0, 1, 1], [], []>, transpose_lhs_hint = false} : vector<32x128xf32>, vector<128x384xf32>, vector<32x384xf32> -> vector<32x384xf32>
    %get3A_133 = arith.constant 0 : index
    %get3A_134 = arith.constant 0 : index
    %get3A_135 = vector.load %arg10[%get3A_133, %get3A_134] : memref<1x384xf32, #tpu.memory_space<vmem>>, vector<1x384xf32>
    %add3A_136 = vector.broadcast %get3A_135 : vector<1x384xf32> to vector<32x384xf32>
    %add3A_137 = arith.addf %dot_general3A_132, %add3A_136 : vector<32x384xf32>
    %get3A_138 = arith.constant 0 : index
    %get3A_139 = arith.constant 0 : index
    %get3A_140 = vector.load %arg8[%get3A_138, %get3A_139] : memref<128x384xf32, #tpu.memory_space<vmem>>, vector<128x384xf32>
    %dot_general3A_141 = arith.constant dense<0.000000e+00> : vector<32x384xf32>
    %dot_general3A_142 = tpu.matmul %get3A_84, %get3A_140, %dot_general3A_141 {dimension_numbers = #tpu.dot_dimension_numbers<[1], [0], [0], [1], [0, 0, 1, 1], [], []>, transpose_lhs_hint = false} : vector<32x128xf32>, vector<128x384xf32>, vector<32x384xf32> -> vector<32x384xf32>
    %get3A_143 = arith.constant 0 : index
    %get3A_144 = arith.constant 0 : index
    %get3A_145 = vector.load %arg11[%get3A_143, %get3A_144] : memref<1x384xf32, #tpu.memory_space<vmem>>, vector<1x384xf32>
    %add3A_146 = vector.broadcast %get3A_145 : vector<1x384xf32> to vector<32x384xf32>
    %add3A_147 = arith.addf %dot_general3A_142, %add3A_146 : vector<32x384xf32>
    %slice3A_148 = vector.extract_strided_slice %add3A_137 {offsets = [0, 0], sizes = [32, 128], strides = [1, 1]} : vector<32x384xf32> to vector<32x128xf32>
    %slice3A_149 = vector.extract_strided_slice %add3A_147 {offsets = [0, 0], sizes = [32, 128], strides = [1, 1]} : vector<32x384xf32> to vector<32x128xf32>
    %add3A_150 = arith.addf %slice3A_148, %slice3A_149 : vector<32x128xf32>
    %logistic3A_151 = arith.negf %add3A_150 : vector<32x128xf32>
    %logistic3A_152 = math.exp %logistic3A_151 : vector<32x128xf32>
    %logistic3A_153 = arith.constant 1.000000e+00 : f32
    %logistic3A_154 = vector.broadcast %logistic3A_153 : f32 to vector<32x128xf32>
    %logistic3A_155 = arith.addf %logistic3A_154, %logistic3A_152 : vector<32x128xf32>
    %logistic3A_156 = arith.divf %logistic3A_154, %logistic3A_155 : vector<32x128xf32>
    %slice3A_157 = vector.extract_strided_slice %add3A_137 {offsets = [0, 128], sizes = [32, 128], strides = [1, 1]} : vector<32x384xf32> to vector<32x128xf32>
    %slice3A_158 = vector.extract_strided_slice %add3A_147 {offsets = [0, 128], sizes = [32, 128], strides = [1, 1]} : vector<32x384xf32> to vector<32x128xf32>
    %add3A_159 = arith.addf %slice3A_157, %slice3A_158 : vector<32x128xf32>
    %logistic3A_160 = arith.negf %add3A_159 : vector<32x128xf32>
    %logistic3A_161 = math.exp %logistic3A_160 : vector<32x128xf32>
    %logistic3A_162 = arith.constant 1.000000e+00 : f32
    %logistic3A_163 = vector.broadcast %logistic3A_162 : f32 to vector<32x128xf32>
    %logistic3A_164 = arith.addf %logistic3A_163, %logistic3A_161 : vector<32x128xf32>
    %logistic3A_165 = arith.divf %logistic3A_163, %logistic3A_164 : vector<32x128xf32>
    %slice3A_166 = vector.extract_strided_slice %add3A_137 {offsets = [0, 256], sizes = [32, 128], strides = [1, 1]} : vector<32x384xf32> to vector<32x128xf32>
    %slice3A_167 = vector.extract_strided_slice %add3A_147 {offsets = [0, 256], sizes = [32, 128], strides = [1, 1]} : vector<32x384xf32> to vector<32x128xf32>
    %mul3A_168 = arith.mulf %logistic3A_156, %slice3A_167 : vector<32x128xf32>
    %add3A_169 = arith.addf %slice3A_166, %mul3A_168 : vector<32x128xf32>
    %tanh3A_170 = math.tanh %add3A_169 : vector<32x128xf32>
    %sub3A_171 = arith.constant 1.000000e+00 : f32
    %sub3A_172 = vector.broadcast %sub3A_171 : f32 to vector<32x128xf32>
    %sub3A_173 = arith.subf %sub3A_172, %logistic3A_165 : vector<32x128xf32>
    %mul3A_174 = arith.mulf %sub3A_173, %tanh3A_170 : vector<32x128xf32>
    %mul3A_175 = arith.mulf %logistic3A_165, %get3A_84 : vector<32x128xf32>
    %add3A_176 = arith.addf %mul3A_174, %mul3A_175 : vector<32x128xf32>
    %lt3A = arith.constant 63 : i32
    %lt3A_177 = arith.cmpi slt, %arg0, %lt3A : i32
    %convert_element_type3A_178 = arith.extui %lt3A_177 : i1 to i32
    %cond3A_179 = arith.constant 0 : i32
    %cond3A_180 = arith.cmpi ne, %convert_element_type3A_178, %cond3A_179 : i32
    scf.if %cond3A_180 {
      %broadcast_in_dim3A_187 = vector.shape_cast %add3A_176 : vector<32x128xf32> to vector<32x1x128xf32>
      %swap3A = arith.constant 0 : index
      %swap3A_188 = arith.index_cast %arg0 : i32 to index
      %swap3A_189 = arith.constant 0 : index
      %swap3A_190 = vector.load %arg20[%swap3A, %swap3A_188, %swap3A_189] : memref<32x66x128xf32, #tpu.memory_space<vmem>>, vector<32x1x128xf32>
      tpu.vector_store %arg20[%swap3A, %swap3A_188, %swap3A_189], %broadcast_in_dim3A_187 {strides = array<i32>} : memref<32x66x128xf32, #tpu.memory_space<vmem>>, vector<32x1x128xf32>,
      %swap3A_191 = arith.constant 0 : index
      %swap3A_192 = arith.constant 0 : index
      %swap3A_193 = vector.load %arg18[%swap3A_191, %swap3A_192] : memref<32x128xf32, #tpu.memory_space<vmem>>, vector<32x128xf32>
      tpu.vector_store %arg18[%swap3A_191, %swap3A_192], %add3A_127 {strides = array<i32>} : memref<32x128xf32, #tpu.memory_space<vmem>>, vector<32x128xf32>,
    } else {
    }
    %ge3A = arith.constant 1 : i32
    %ge3A_181 = arith.cmpi sge, %arg0, %ge3A : i32
    %lt3A_182 = arith.constant 63 : i32
    %lt3A_183 = arith.cmpi slt, %arg0, %lt3A_182 : i32
    %and3A = arith.andi %ge3A_181, %lt3A_183 : i1
    %convert_element_type3A_184 = arith.extui %and3A : i1 to i32
    %cond3A_185 = arith.constant 0 : i32
    %cond3A_186 = arith.cmpi ne, %convert_element_type3A_184, %cond3A_185 : i32
    scf.if %cond3A_186 {
      %swap3A = arith.constant 0 : index
      %swap3A_187 = arith.constant 0 : index
      %swap3A_188 = vector.load %arg19[%swap3A, %swap3A_187] : memref<32x128xf32, #tpu.memory_space<vmem>>, vector<32x128xf32>
      tpu.vector_store %arg19[%swap3A, %swap3A_187], %add3A_176 {strides = array<i32>} : memref<32x128xf32, #tpu.memory_space<vmem>>, vector<32x128xf32>,
    } else {
    }
    return
  }
  func.func @transform_0(%arg0: i32) -> (i32, i32, i32) {
    %min3A = arith.constant 62 : i32
    %min3A_0 = arith.minsi %arg0, %min3A : i32
    %c0_i32 = arith.constant 0 : i32
    %c0_i32_1 = arith.constant 0 : i32
    %c0_i32_2 = arith.constant 0 : i32
    return %min3A_0, %c0_i32, %c0_i32_1 : i32, i32, i32
  }
  func.func @transform_1(%arg0: i32) -> (i32, i32, i32, i32) {
    %sub3A = arith.constant 1 : i32
    %sub3A_0 = arith.subi %arg0, %sub3A : i32
    %max3A = arith.constant 0 : i32
    %max3A_1 = arith.maxsi %sub3A_0, %max3A : i32
    %c0_i32 = arith.constant 0 : i32
    %c0_i32_2 = arith.constant 0 : i32
    %c0_i32_3 = arith.constant 0 : i32
    %c0_i32_4 = arith.constant 0 : i32
    return %max3A_1, %c0_i32, %c0_i32_2, %c0_i32_3 : i32, i32, i32, i32
  }
  func.func @transform_2(%arg0: i32) -> (i32, i32, i32) {
    %sub3A = arith.constant 1 : i32
    %sub3A_0 = arith.subi %arg0, %sub3A : i32
    %max3A = arith.constant 0 : i32
    %max3A_1 = arith.maxsi %sub3A_0, %max3A : i32
    %c0_i32 = arith.constant 0 : i32
    %c0_i32_2 = arith.constant 0 : i32
    %c0_i32_3 = arith.constant 0 : i32
    return %max3A_1, %c0_i32, %c0_i32_2 : i32, i32, i32
  }
  func.func @transform_3(%arg0: i32) -> (i32, i32) {
    %c0_i32 = arith.constant 0 : i32
    %c0_i32_0 = arith.constant 0 : i32
    %c0_i32_1 = arith.constant 0 : i32
    return %c0_i32, %c0_i32_0 : i32, i32
  }
  func.func @transform_4(%arg0: i32) -> (i32, i32) {
    %c0_i32 = arith.constant 0 : i32
    %c0_i32_0 = arith.constant 0 : i32
    %c0_i32_1 = arith.constant 0 : i32
    return %c0_i32, %c0_i32_0 : i32, i32
  }
  func.func @transform_5(%arg0: i32) -> (i32, i32) {
    %c0_i32 = arith.constant 0 : i32
    %c0_i32_0 = arith.constant 0 : i32
    %c0_i32_1 = arith.constant 0 : i32
    return %c0_i32, %c0_i32_0 : i32, i32
  }
  func.func @transform_6(%arg0: i32) -> (i32, i32) {
    %c0_i32 = arith.constant 0 : i32
    %c0_i32_0 = arith.constant 0 : i32
    %c0_i32_1 = arith.constant 0 : i32
    return %c0_i32, %c0_i32_0 : i32, i32
  }
  func.func @transform_7(%arg0: i32) -> (i32, i32) {
    %c0_i32 = arith.constant 0 : i32
    %c0_i32_0 = arith.constant 0 : i32
    %c0_i32_1 = arith.constant 0 : i32
    return %c0_i32, %c0_i32_0 : i32, i32
  }
  func.func @transform_8(%arg0: i32) -> (i32, i32) {
    %c0_i32 = arith.constant 0 : i32
    %c0_i32_0 = arith.constant 0 : i32
    %c0_i32_1 = arith.constant 0 : i32
    return %c0_i32, %c0_i32_0 : i32, i32
  }
  func.func @transform_9(%arg0: i32) -> (i32, i32) {
    %c0_i32 = arith.constant 0 : i32
    %c0_i32_0 = arith.constant 0 : i32
    %c0_i32_1 = arith.constant 0 : i32
    return %c0_i32, %c0_i32_0 : i32, i32
  }
  func.func @transform_10(%arg0: i32) -> (i32, i32) {
    %c0_i32 = arith.constant 0 : i32
    %c0_i32_0 = arith.constant 0 : i32
    %c0_i32_1 = arith.constant 0 : i32
    return %c0_i32, %c0_i32_0 : i32, i32
  }
  func.func @transform_11(%arg0: i32) -> (i32, i32) {
    %c0_i32 = arith.constant 0 : i32
    %c0_i32_0 = arith.constant 0 : i32
    %c0_i32_1 = arith.constant 0 : i32
    return %c0_i32, %c0_i32_0 : i32, i32
  }
  func.func @transform_12(%arg0: i32) -> (i32, i32) {
    %c0_i32 = arith.constant 0 : i32
    %c0_i32_0 = arith.constant 0 : i32
    %c0_i32_1 = arith.constant 0 : i32
    return %c0_i32, %c0_i32_0 : i32, i32
  }
  func.func @transform_13(%arg0: i32) -> (i32, i32) {
    %c0_i32 = arith.constant 0 : i32
    %c0_i32_0 = arith.constant 0 : i32
    %c0_i32_1 = arith.constant 0 : i32
    return %c0_i32, %c0_i32_0 : i32, i32
  }
  func.func @transform_14(%arg0: i32) -> (i32, i32) {
    %c0_i32 = arith.constant 0 : i32
    %c0_i32_0 = arith.constant 0 : i32
    %c0_i32_1 = arith.constant 0 : i32
    return %c0_i32, %c0_i32_0 : i32, i32
  }
  func.func @transform_15(%arg0: i32) -> (i32, i32) {
    %c0_i32 = arith.constant 0 : i32
    %c0_i32_0 = arith.constant 0 : i32
    %c0_i32_1 = arith.constant 0 : i32
    return %c0_i32, %c0_i32_0 : i32, i32
  }
  func.func @transform_16(%arg0: i32) -> (i32, i32) {
    %c0_i32 = arith.constant 0 : i32
    %c0_i32_0 = arith.constant 0 : i32
    %c0_i32_1 = arith.constant 0 : i32
    return %c0_i32, %c0_i32_0 : i32, i32
  }
}

</mosaic_0001>

<sc_bundles>
// kernel: kernel.7.cloned.1.call-start
scs
__scs_entry_jumppad:
0x0: {  	(pc) =	sbr.rel $0x88, $3  }
0x1: {  	(tag) =	ssettag $0x0;
	lr =	simm.s32 $0x1  }
0x2: {  	[smem:$0x3F82] =	sst lr;
	_ =	strace $0xD0000000  }
0x3: {  	_ = 	snop  }
0x4: {  	_ = 	snop  }
0x5: {  	_ = 	snop  }
0x6: {  	_ = 	snop  }
0x7: {  	_ = 	snop  }
__scs_overlays_trampoline_lowered:
0x8: {  	[smem:$0x3F91] =	sst s0  }
0x9: {  	[smem:$0x3F92] =	sst s1  }
0xa: {  	[smem:$0x3F93] =	sst s2  }
0xb: {  	[smem:$0x3F94] =	sst s3  }
0xc: {  	[smem:$0x3F95] =	sst s4  }
0xd: {  	[smem:$0x3F96] =	sst s5  }
0xe: {  	[smem:$0x3F97] =	sst s6  }
0xf: {  	[smem:$0x3F98] =	sst s7  }
0x10: {  	[smem:$0x3F99] =	sst s8  }
0x11: {  	[smem:$0x3F9A] =	sst s9;
	s0 =	simm.s32 @!p0 $0x0  }
0x12: {  	s1 =	sld [smem:$0x3F80];
	s0 =	simm.s32 @p0 $0x1  }
0x13: {  	[smem:$0x3F9B] =	sst s0;
	s0 =	simm.s32 @!p1 $0x0  }
0x14: {  	s2 =	sld [smem:$0x3F7F];
	s0 =	simm.s32 @p1 $0x1  }
0x15: {  	[smem:$0x3F9C] =	sst s0;
	s0 =	simm.s32 @!p2 $0x0  }
0x16: {  	s3 =	sld [smem:$0x3FDB];
	s0 =	simm.s32 @p2 $0x1  }
0x17: {  	s4 =	simm.s32 $0x1BF5;
	[smem:$0x3F9E] =	sst s0  }
0x18: {  	s0 =	sld [smem:$0x3F81];
	_ =	swait.ge [sflag:s4], $0x0  }
0x19: {  	s7 =	sld [smem:$0x3F82]  }
0x1a: {  	s8 =	sadd.s32 $0xFFFFE003, lr  }
0x1b: {  	s9 =	sadd.s32 $0xFFFFFEF7, lr;
	s5 =	simm.s32 $0xFFFFFFFF;
	p2 =	slt.u32 s8, $0xFFFFF086  }
0x1c: {  	p1 =	slt.u32 s9, $0xF7A;
	s5 =	simm.s32 @!p2 $0x0  }
0x1d: {  	s5 =	simm.s32 @p1 $0x1;
	p0 =	seq.s32 s7, s2  }
0x1e: {  	s7 =	smul.u32 @!p0 $0xF7A, s2;
	p2 =	seq.s32 @!p0 s5, $0x0  }
0x1f: {  	s9 =	smul.u32 $0xF7A, s1;
	s8 =	simm.s32 @!p0 $0x1BF5;
	p2 =	por !p2, p0  }
0x20: {  	[sflag:s8] =	ssyncset.s32 @!p0 $0xFFFFF086;
	s6 =	sadd.s32 @!p0 s3, s7;
	s7 =	simm.s32 @!p0 $0x108  }
0x21: {  	s3 =	sadd.s32 s3, s9;
	s6 =	sadd.s32 @!p0 $0x88, s6;
	s7 =	simm.s32 @p2 $0x1082  }
0x22: {  	[simem:s7], [sflag:s8] =	dma.local @!p0 [hbm:s6], $0xF7A  }
0x23: {  	s9 =	sor.u32 $0xD0000000, s2;
	s6 =	simm.s32 $0x108;
	_ =	swait.ge @!p0 [sflag:s8], $0x0  }
0x24: {  	s3 =	sadd.s32 $0x88, s3;
	s6 =	simm.s32 @!p1 $0x1082;
	[sflag:s4] =	ssyncset.s32 $0xFFFFF086  }
0x25: {  	[simem:s6], [sflag:s4] =	dma.local [hbm:s3], $0xF7A  }
0x26: {  	[smem:$0x3F82] =	sst s1;
	(tag) =	ssettag s2;
	_ =	strace s9  }
0x27: {  	s1 =	sld [smem:$0x3F92]  }
0x28: {  	s2 =	sld [smem:$0x3F93]  }
0x29: {  	s4 =	sld [smem:$0x3F95]  }
0x2a: {  	p0 =	seq.s32 s5, $0x0;
	s5 =	sld [smem:$0x3F96]  }
0x2b: {  	s6 =	sld [smem:$0x3F97]  }
0x2c: {  	s7 =	sld [smem:$0x3F98]  }
0x2d: {  	s3 =	simm.s32 $0x108;
	s8 =	sld [smem:$0x3F99]  }
0x2e: {  	s3 =	simm.s32 @!p0 $0x1082;
	s9 =	sld [smem:$0x3F9A]  }
0x2f: {  	lr =	sadd.s32 s0, s3;
	s0 =	sld [smem:$0x3F91]  }
0x30: {  	s3 =	sld [smem:$0x3F94]  }
0x31: {  	[smem:$0x3F9D] =	sst s10  }
0x32: {  	s10 =	sld [smem:$0x3F9B];
	_ =	sdelay $0x3  }
0x33: {  	p0 =	seq.s32 s10, $0x1;
	s10 =	sld [smem:$0x3F9D];
	_ =	sdelay $0x3  }
0x34: {  	[smem:$0x3F9D] =	sst s10  }
0x35: {  	s10 =	sld [smem:$0x3F9C];
	_ =	sdelay $0x3  }
0x36: {  	p1 =	seq.s32 s10, $0x1;
	s10 =	sld [smem:$0x3F9D];
	_ =	sdelay $0x3  }
0x37: {  	[smem:$0x3F9D] =	sst s10  }
0x38: {  	s10 =	sld [smem:$0x3F9E]  }
0x39: {  	_ = 	snop;
	(pc) =	sbr.ind lr, $3  }
0x3a: {  	_ = 	snop  }
0x3b: {  	_ = 	snop  }
0x3c: {  	p2 =	seq.s32 s10, $0x1;
	s10 =	sld [smem:$0x3F9D]  }
0x3d: {  	_ =	shalt  }
0x3e: {  	_ =	shalt  }
0x3f: {  	_ =	shalt  }
0x40: {  	_ =	shalt  }
0x41: {  	_ =	shalt  }
0x42: {  	_ =	shalt  }
0x43: {  	_ =	shalt  }
0x44: {  	_ =	shalt  }
0x45: {  	_ =	shalt  }
0x46: {  	_ =	shalt  }
0x47: {  	_ =	shalt  }
0x48: {  	_ =	shalt  }
0x49: {  	_ =	shalt  }
0x4a: {  	_ =	shalt  }
0x4b: {  	_ =	shalt  }
0x4c: {  	_ =	shalt  }
0x4d: {  	_ =	shalt  }
0x4e: {  	_ =	shalt  }
0x4f: {  	_ =	shalt  }
0x50: {  	_ =	shalt  }
0x51: {  	_ =	shalt  }
0x52: {  	_ =	shalt  }
0x53: {  	_ =	shalt  }
0x54: {  	_ =	shalt  }
0x55: {  	_ =	shalt  }
0x56: {  	_ =	shalt  }
0x57: {  	_ =	shalt  }
0x58: {  	_ =	shalt  }
0x59: {  	_ =	shalt  }
0x5a: {  	_ =	shalt  }
0x5b: {  	_ =	shalt  }
0x5c: {  	_ =	shalt  }
0x5d: {  	_ =	shalt  }
0x5e: {  	_ =	shalt  }
0x5f: {  	_ =	shalt  }
0x60: {  	_ =	shalt  }
0x61: {  	_ =	shalt  }
0x62: {  	_ =	shalt  }
0x63: {  	_ =	shalt  }
0x64: {  	_ =	shalt  }
0x65: {  	_ =	shalt  }
0x66: {  	_ =	shalt  }
0x67: {  	_ =	shalt  }
0x68: {  	_ =	shalt  }
0x69: {  	_ =	shalt  }
0x6a: {  	_ =	shalt  }
0x6b: {  	_ =	shalt  }
0x6c: {  	_ =	shalt  }
0x6d: {  	_ =	shalt  }
0x6e: {  	_ =	shalt  }
0x6f: {  	_ =	shalt  }
0x70: {  	_ =	shalt  }
0x71: {  	_ =	shalt  }
0x72: {  	_ =	shalt  }
0x73: {  	_ =	shalt  }
0x74: {  	_ =	shalt  }
0x75: {  	_ =	shalt  }
0x76: {  	_ =	shalt  }
0x77: {  	_ =	shalt  }
0x78: {  	_ =	shalt  }
0x79: {  	_ =	shalt  }
0x7a: {  	_ =	shalt  }
0x7b: {  	_ =	shalt  }
0x7c: {  	_ =	shalt  }
0x7d: {  	_ =	shalt  }
0x7e: {  	_ =	shalt  }
0x7f: {  	_ =	shalt  }
0x80: {  	_ =	shalt  }
0x81: {  	_ =	shalt  }
0x82: {  	_ =	shalt  }
0x83: {  	_ =	shalt  }
0x84: {  	_ =	shalt  }
0x85: {  	_ =	shalt  }
0x86: {  	_ =	shalt  }
0x87: {  	_ =	shalt  }
.Lfunc_end0:
.L_simem_size_0:
called_computation_lowered:
.L_overlay_start_0:
0x88: {  	s2 =	sld [smem:$0x3FD9]  }
0x89: {  	s3 =	sld [smem:$0x3FFE];
	_ =	sdelay $0x1  }
0x8a: {  	s1 =	srdreg.scid  }
0x8b: {  	s0 =	sand.u32 $0x1, s1  }
0x8c: {  	s17 =	sshll.u32 s0, $0xA;
	s2 =	sadd.s32 s3, s2  }
0x8d: {  	s2 =	sadd.s32 s2, s17  }
0x8e: {  	[smem:$0x3FA9] =	sst s2  }
0x8f: {  	_ = 	snop  }
0x90: {  	s2 =	sld [smem:$0x3FC3]  }
0x91: {  	s18 =	sld [smem:$0x3FD0];
	(tm) =	ssettm $0x1  }
0x92: {  	s4 =	sld [smem:$0x3FFB];
	_ =	sdelay $0x3  }
0x93: {  	_ =	strace s4  }
0x94: {  	s4 =	sld [smem:$0x3FFC];
	_ =	sdelay $0x3  }
0x95: {  	_ =	strace s4  }
0x96: {  	s4 =	sld [smem:$0x3FFD];
	_ =	sdelay $0x3  }
0x97: {  	_ =	strace s4  }
0x98: {  	_ =	strace $0x8FFFFFFF  }
0x99: {  	s19 =	sld [smem:$0x3FDB];
	_ =	sdelay $0x1  }
0x9a: {  	s5 =	simm.s32 $_scs_section_size  }
0x9b: {  	s6 =	simm.s32 $_size__tile_overlayer_lowered;
	s7 =	simm.s32 $_tile_overlayer_lowered  }
0x9c: {  	s22 =	simm.s32 $0x1BFF;
	s21 =	sshll.u32 s7, $0x1;
	s4 =	sadd.s32 s5, s19  }
0x9d: {  	s8 =	simm.s32 $0x0;
	s20 =	sshll.u32 s6, $0x1;
	s6 =	sadd.s32 s21, s4  }
0x9e: {  	[timem:s8], [sflag:s22] =	dma.local [hbm:s6], s20  }
0x9f: {  	_ =	swait.ge [sflag:s22], s20  }
0xa0: {  	s5 =	ssub.s32 $0x0, s20;
	[sflag:s22] =	ssyncset.done $0x0  }
0xa1: {  	[sflag:s22] =	ssyncadd.s32 s5;
	_ =	sdelay $0x1  }
0xa2: {  	s23 =	simm.s32 $0x1B8B  }
0xa3: {  	_ =	swait.ge [sflag:s23], $0x1  }
0xa4: {  	[sflag:s23] =	ssyncset.done $0x0  }
0xa5: {  	s25 =	simm.s32 $0x1B8E;
	s24 =	sld [smem:$0x3FFE];
	[sflag:s23] =	ssyncadd.s32 $0xFFFFFFFF  }
0xa6: {  	s26 =	simm.s32 $execute0_lowered;
	[smem:$0x3FD2] =	sst s25  }
0xa7: {  	s6 =	sshll.u32 s26, $0x1;
	_ =	strace $0x80000046;
	[dreg:$0x1] =	wrdreg $0xFFFFFFFF  }
0xa8: {  	s28 =	simm.s32 $_size_execute0_lowered;
	s4 =	sadd.s32 s4, s6;
	[dreg:$0x0] =	wrdreg $0x0  }
0xa9: {  	s6 =	sshll.u32 s28, $0x1;
	[dreg:$0x2] =	wrdreg s4  }
0xaa: {  	[dreg:$0x3] =	wrdreg s6  }
0xab: {  	[dreg:$0x4] =	wrdreg $0xC0  }
0xac: {  	_ =	task [dreg:s8], $0x5FFFF  }
0xad: {  	[dreg:$0x1] =	wrdreg $0xFFFFFFFF  }
0xae: {  	[dreg:$0x0] =	wrdreg $0x60  }
0xaf: {  	[dreg:$0x2] =	wrdreg s2  }
0xb0: {  	[dreg:$0x3] =	wrdreg s24  }
0xb1: {  	[dreg:$0x4] =	wrdreg s18  }
0xb2: {  	[dreg:$0x5] =	wrdreg $0x9  }
0xb3: {  	_ =	task.clear_ibuf [dreg:s8], $0x6FFFF;
	_ =	strace $0x90000046  }
0xb4: {  	s29 =	simm.s32 $0x9;
	_ =	strace $0x80000048  }
0xb5: {  	_ =	swait.ge [sflag:s29], $0x1  }
0xb6: {  	[sflag:s29] =	ssyncadd.s32 $0xFFFFFFFF  }
0xb7: {  	_ =	strace $0x90000048  }
0xb8: {  	_ =	sfence  }
0xb9: {  	s30 =	sld [smem:$0x0];
	_ =	sdelay $0x2  }
0xba: {  	s31 =	sshll.u32 s1, $0xD;
	s1 =	sshrl.u32 s1, $0x2  }
0xbb: {  	s3 =	sand.u32 $0x4000, s31;
	s1 =	sadd.s32 s1, s30  }
0xbc: {  	s0 =	sor.u32 s3, s0;
	s1 =	sshll.u32 s1, $0x11  }
0xbd: {  	s0 =	sor.u32 s1, s0  }
0xbe: {  	s0 =	sadd.s32 $0x8F2B, s0  }
0xbf: {  	[sflag:s0] =	ssyncadd.remote.s32 $0x1  }
0xc0: {  	_ =	sfence.sel $0xFFFF  }
0xc1: {  	[dreg:$0x0] =	wrdreg $0xFFFFFFFF;
	(pc) =	sbr.abs _section_cstart, $3  }
0xc2: {  	[dreg:$0x1] =	wrdreg $0xFFFFFFFF  }
0xc3: {  	_ =	task.clear_ibuf [dreg:s8], $0x2FFFF;
	_ =	strace $0x9FFFFFFF  }
0xc4: {  	(tm) =	ssettm $0x7FFFFFFF  }
0xc5: {  	_ =	shalt  }
tec
execute0_lowered:
.L_overlay_start_1:
0x0: {  	(tag) =	ssettag $0x1  }
0x1: {  	s1 =	rddreg [dreg:$0x0]  }
0x2: {  	s21 =	rddreg [dreg:$0x1];
	s2 =	srdreg.scid  }
0x3: {  	s6 =	rddreg [dreg:$0x2];
	s22 =	sand.u32 $0x1, s2  }
0x4: {  	s3 =	simm.s32 $0x0;
	s2 =	stileid.u32;
	s4 =	sshll.u32 s22, $0x6  }
0x5: {  	[smem:$0x7FF] =	sst s3;
	s5 =	sshll.u32 s2, $0x7;
	s4 =	sadd.s32 s4, s21  }
0x6: {  	s0 =	rddreg [dreg:$0x3];
	_ =	strace $0x80000047;
	s4 =	sadd.s32 s5, s4  }
0x7: {  	s7 =	sshll.u32 s2, $0x1;
	s5 =	sadd.s32 $0x4600, s4;
	s4 =	simm.s32 $0x2  }
0x8: {  	[tilespmem:s3], [sflag:$0x2] =	stream.linear.gather [hbm4b:s5+s3], $0x200, $0x38;
	[tilespmem:$0x14280] =	vst v63  }
0x9: {  	s23 =	sor.u32 s22, s7;
	_ =	swait.ge [sflag:s4], $0x200  }
0xa: {  	s7 =	sshll.u32 s23, $0x3;
	[sflag:s4] =	ssyncset.done $0x0  }
0xb: {  	s6 =	sadd.s32 s6, s7;
	s7 =	simm.s32 $0x200;
	[sflag:s4] =	ssyncadd.s32 $0xFFFFFE00  }
0xc: {  	[tilespmem:s7], [sflag:$0x2] =	stream.linear.gather [hbm4b:s6+s3], $0x40, $0x38;
	[tilespmem:$0x14280] =	vst v63  }
0xd: {  	_ =	swait.ge [sflag:s4], $0x40  }
0xe: {  	[sflag:s4] =	ssyncset.done $0x0  }
0xf: {  	s8 =	simm.s32 $0x80;
	s9 =	simm.s32 $0x280;
	[sflag:s4] =	ssyncadd.s32 $0xFFFFFFC0  }
0x10: {  	[tilespmem:s9], [sflag:$0x1] =	stream.indirect.gather [hbm4b:s1+s8], $0x80, s3, s8, $0xb8;
	[tilespmem:$0x14280] =	vst v63  }
0x11: {  	s10 =	simm.s32 $0x4280  }
0x12: {  	[tilespmem:s10], [sflag:$0x1] =	stream.indirect.gather [hbm4b:s1+s8], $0x80, s8, s8, $0xb8;
	[tilespmem:$0x14280] =	vst v63  }
0x13: {  	s11 =	simm.s32 $0x100;
	s12 =	simm.s32 $0x8280  }
0x14: {  	[tilespmem:s12], [sflag:$0x1] =	stream.indirect.gather [hbm4b:s1+s8], $0x80, s11, s8, $0xb8;
	[tilespmem:$0x14280] =	vst v63  }
0x15: {  	s13 =	simm.s32 $0x180;
	s14 =	simm.s32 $0xC280  }
0x16: {  	[tilespmem:s14], [sflag:$0x1] =	stream.indirect.gather [hbm4b:s1+s8], $0x80, s13, s8, $0xb8;
	[tilespmem:$0x14280] =	vst v63  }
0x17: {  	s15 =	simm.s32 $0x40;
	s16 =	simm.s32 $0x10280  }
0x18: {  	[tilespmem:s16], [sflag:$0x1] =	stream.indirect.gather [hbm4b:s1+s15], $0x80, s7, s15, $0xb8;
	[tilespmem:$0x14280] =	vst v63  }
0x19: {  	s18 =	simm.s32 $0x12280;
	s19 =	simm.s32 $0x1;
	s17 =	sadd.s32 $0x4E00, s21  }
0x1a: {  	[tilespmem:s18], [sflag:$0x1] =	stream.indirect.gather [hbm4b:s17+s15], $0x80, s7, s15, $0xb8;
	[tilespmem:$0x14280] =	vst v63  }
0x1b: {  	_ =	swait.ge [sflag:s19], $0x4000  }
0x1c: {  	[sflag:s19] =	ssyncset.done $0x0  }
0x1d: {  	[sflag:s19] =	ssyncadd.s32 $0xFFFFC000  }
0x1e: {  	_ =	swait.ge [sflag:s19], $0x4000  }
0x1f: {  	[sflag:s19] =	ssyncset.done $0x0  }
0x20: {  	[sflag:s19] =	ssyncadd.s32 $0xFFFFC000  }
0x21: {  	_ =	swait.ge [sflag:s19], $0x4000  }
0x22: {  	[sflag:s19] =	ssyncset.done $0x0  }
0x23: {  	[sflag:s19] =	ssyncadd.s32 $0xFFFFC000  }
0x24: {  	_ =	swait.ge [sflag:s19], $0x4000  }
0x25: {  	[sflag:s19] =	ssyncset.done $0x0  }
0x26: {  	[sflag:s19] =	ssyncadd.s32 $0xFFFFC000  }
0x27: {  	_ =	swait.ge [sflag:s19], $0x2000  }
0x28: {  	[sflag:s19] =	ssyncset.done $0x0  }
0x29: {  	[sflag:s19] =	ssyncadd.s32 $0xFFFFE000  }
0x2a: {  	s20 =	sshll.u32 s23, $0xD;
	_ =	swait.ge [sflag:s19], $0x2000  }
0x2b: {  	s20 =	sadd.s32 s20, s21;
	[sflag:s19] =	ssyncset.done $0x0  }
0x2c: {  	s22 =	ssub.s32 $0x2, s22;
	s20 =	sadd.s32 $0xC8400, s20;
	[sflag:s19] =	ssyncadd.s32 $0xFFFFE000  }
0x2d: {  	[hbm4b:s20+s3] =	stream.linear.scatter [tilespmem:s9], [sflag:$0x2], $0x10000, $0x38;
	[tilespmem:$0x14280] =	vst v63  }
0x2e: {  	s23 =	sshll.u32 s23, $0xA;
	s24 =	sshrl.u32 s22, $0x1;
	_ =	swait.ge [sflag:s4], $0x10000  }
0x2f: {  	s23 =	sadd.s32 s23, s21;
	s24 =	ssub.s32 s22, s24;
	[sflag:s4] =	ssyncset.done $0x0  }
0x30: {  	s21 =	sadd.s32 $0x108400, s23;
	s31 =	smax.u32 s24, $0x1;
	[sflag:s4] =	ssyncadd.s32 $0xFFFF0000  }
0x31: {  	[hbm4b:s21+s3] =	stream.linear.scatter [tilespmem:s16], [sflag:$0x2], $0x2000, $0x38;
	[tilespmem:$0x14280] =	vst v63  }
0x32: {  	p0 =	sne.s32 s31, $0x1;
	_ =	swait.ge [sflag:s4], $0x2000  }
.Ltmp0:
0x33: {  	[sflag:s4] =	ssyncset.done $0x0;
	(pc) =	sbr.rel @!p0 .LBB2_2-.Ltmp0, $4  }
0x34: {  	s22 =	sadd.s32 $0x110400, s23;
	[sflag:s4] =	ssyncadd.s32 $0xFFFFE000  }
0x35: {  	[hbm4b:s22+s3] =	stream.linear.scatter [tilespmem:s18], [sflag:$0x2], $0x2000, $0x38;
	[tilespmem:$0x14280] =	vst v63  }
0x36: {  	_ =	swait.ge [sflag:s4], $0x2000  }
0x37: {  	s23 =	sadd.s32 $0xFFFFFFFF, s31;
	[sflag:s4] =	ssyncset.done $0x0  }
.LBB2_1:
0x38: {  	p0 =	sne.s32 s23, $0x1;
	s23 =	sadd.s32 $0xFFFFFFFF, s23;
	[sflag:s4] =	ssyncadd.s32 $0xFFFFE000  }
0x39: {  	[tilespmem:s3], [sflag:$0x2] =	stream.linear.gather [hbm4b:s5+s3], $0x200, $0x38;
	[tilespmem:$0x14280] =	vst v63  }
0x3a: {  	_ =	swait.ge [sflag:s4], $0x200  }
0x3b: {  	[sflag:s4] =	ssyncset.done $0x0  }
0x3c: {  	[sflag:s4] =	ssyncadd.s32 $0xFFFFFE00  }
0x3d: {  	[tilespmem:s7], [sflag:$0x2] =	stream.linear.gather [hbm4b:s6+s3], $0x40, $0x38;
	[tilespmem:$0x14280] =	vst v63  }
0x3e: {  	_ =	swait.ge [sflag:s4], $0x40  }
0x3f: {  	[sflag:s4] =	ssyncset.done $0x0  }
0x40: {  	[sflag:s4] =	ssyncadd.s32 $0xFFFFFFC0  }
0x41: {  	[tilespmem:s9], [sflag:$0x1] =	stream.indirect.gather [hbm4b:s1+s8], $0x80, s3, s8, $0xb8;
	[tilespmem:$0x14280] =	vst v63  }
0x42: {  	_ = 	snop  }
0x43: {  	[tilespmem:s10], [sflag:$0x1] =	stream.indirect.gather [hbm4b:s1+s8], $0x80, s8, s8, $0xb8;
	[tilespmem:$0x14280] =	vst v63  }
0x44: {  	_ = 	snop  }
0x45: {  	[tilespmem:s12], [sflag:$0x1] =	stream.indirect.gather [hbm4b:s1+s8], $0x80, s11, s8, $0xb8;
	[tilespmem:$0x14280] =	vst v63  }
0x46: {  	_ = 	snop  }
0x47: {  	[tilespmem:s14], [sflag:$0x1] =	stream.indirect.gather [hbm4b:s1+s8], $0x80, s13, s8, $0xb8;
	[tilespmem:$0x14280] =	vst v63  }
0x48: {  	_ = 	snop  }
0x49: {  	[tilespmem:s16], [sflag:$0x1] =	stream.indirect.gather [hbm4b:s1+s15], $0x80, s7, s15, $0xb8;
	[tilespmem:$0x14280] =	vst v63  }
0x4a: {  	_ = 	snop  }
0x4b: {  	[tilespmem:s18], [sflag:$0x1] =	stream.indirect.gather [hbm4b:s17+s15], $0x80, s7, s15, $0xb8;
	[tilespmem:$0x14280] =	vst v63  }
0x4c: {  	_ =	swait.ge [sflag:s19], $0x4000  }
0x4d: {  	[sflag:s19] =	ssyncset.done $0x0  }
0x4e: {  	[sflag:s19] =	ssyncadd.s32 $0xFFFFC000  }
0x4f: {  	_ =	swait.ge [sflag:s19], $0x4000  }
0x50: {  	[sflag:s19] =	ssyncset.done $0x0  }
0x51: {  	[sflag:s19] =	ssyncadd.s32 $0xFFFFC000  }
0x52: {  	_ =	swait.ge [sflag:s19], $0x4000  }
0x53: {  	[sflag:s19] =	ssyncset.done $0x0  }
0x54: {  	[sflag:s19] =	ssyncadd.s32 $0xFFFFC000  }
0x55: {  	_ =	swait.ge [sflag:s19], $0x4000  }
0x56: {  	[sflag:s19] =	ssyncset.done $0x0  }
0x57: {  	[sflag:s19] =	ssyncadd.s32 $0xFFFFC000  }
0x58: {  	_ =	swait.ge [sflag:s19], $0x2000  }
0x59: {  	[sflag:s19] =	ssyncset.done $0x0  }
0x5a: {  	[sflag:s19] =	ssyncadd.s32 $0xFFFFE000  }
0x5b: {  	_ =	swait.ge [sflag:s19], $0x2000  }
0x5c: {  	[sflag:s19] =	ssyncset.done $0x0  }
0x5d: {  	[sflag:s19] =	ssyncadd.s32 $0xFFFFE000  }
0x5e: {  	[hbm4b:s20+s3] =	stream.linear.scatter [tilespmem:s9], [sflag:$0x2], $0x10000, $0x38;
	[tilespmem:$0x14280] =	vst v63  }
0x5f: {  	_ =	swait.ge [sflag:s4], $0x10000  }
0x60: {  	[sflag:s4] =	ssyncset.done $0x0  }
0x61: {  	[sflag:s4] =	ssyncadd.s32 $0xFFFF0000  }
0x62: {  	[hbm4b:s21+s3] =	stream.linear.scatter [tilespmem:s16], [sflag:$0x2], $0x2000, $0x38;
	[tilespmem:$0x14280] =	vst v63  }
0x63: {  	_ =	swait.ge [sflag:s4], $0x2000  }
.Ltmp1:
0x64: {  	[sflag:s4] =	ssyncset.done $0x0;
	(pc) =	sbr.rel @p0 .LBB2_1-.Ltmp1, $4  }
0x65: {  	[sflag:s4] =	ssyncadd.s32 $0xFFFFE000  }
0x66: {  	[hbm4b:s22+s3] =	stream.linear.scatter [tilespmem:s18], [sflag:$0x2], $0x2000, $0x38;
	[tilespmem:$0x14280] =	vst v63  }
0x67: {  	_ =	swait.ge [sflag:s4], $0x2000  }
0x68: {  	[sflag:s4] =	ssyncset.done $0x0  }
.LBB2_2:
0x69: {  	[sflag:s4] =	ssyncadd.s32 $0xFFFFE000  }
0x6a: {  	_ =	sfence.sel $0x180000  }
0x6b: {  	[bflag:$0x0] =	sbarrier.arrive $0xFFFF  }
0x6c: {  	p0 =	sne.s32 s2, $0x0;
	_ =	strace $0x90000047  }
0x6d: {  	s0 =	sadd.s32 @!p0 $0x100000, s0;
	[bflag:$0x2] =	sbarrier.arrive $0xFFFF  }
0x6e: {  	[sflag:s0] =	ssyncadd.tile.s32 @!p0 $0x1;
	_ =	shalt  }
.Lfunc_end2:
_tile_overlayer_lowered:
.L_overlay_start_2:
0x6f: {  	(tag) =	ssettag $0x2  }
0x70: {  	s0 =	rddreg [dreg:$0x0];
	s2 =	stileid.u32  }
0x71: {  	s1 =	rddreg [dreg:$0x1];
	p0 =	sne.s32 s2, $0x0  }
0x72: {  	s3 =	rddreg [dreg:$0x2];
	[bflag:$0x3] =	sbarrier.arrive $0xFFFF;
	s2 =	simm.s32 @!p0 $0x1C02  }
0x73: {  	[timem:s3], [sflag:s2] =	dma.local @!p0 [hbm:s0], s1  }
0x74: {  	s0 =	simm.s32 @!p0 $0x2  }
0x75: {  	_ =	swait.ge @!p0 [sflag:s0], s1  }
0x76: {  	s1 =	ssub.s32 @!p0 $0x0, s1;
	[sflag:s0] =	ssyncset.done @!p0 $0x0  }
0x77: {  	[sflag:s0] =	ssyncadd.s32 @!p0 s1  }
0x78: {  	[bflag:$0x3] =	sbarrier.arrive $0xFFFF  }
0x79: {  	_ =	shalt  }

</sc_bundles>
